<compile_context>
chip_gen: v7x
topology: tpu7x:2x2x1
jax: 0.10.2.dev20260603
libtpu: 0.0.44.dev20260713+nightly
codegen_flags: <defaults>
</compile_context>

<pallas_src>
import functools

import jax
import jax.numpy as jnp
from jax import lax
from jax.experimental import pallas as pl
from jax.experimental.pallas import tpu as pltpu
from jax.experimental.pallas import tpu_sc as plsc


def _scores_kernel(q_ref, w0_ref, b0_ref, w1_ref, b1_ref, o_ref, w0r_s, b0c_s, ewt_s, *, num_types):
    neurons = w0_ref.shape[2]
    th = num_types * neurons

    @pl.when(pl.program_id(0) == 0)
    def _prep():
        w0r_s[...] = jnp.concatenate([w0_ref[t] for t in range(num_types)], axis=1)
        b0row = jnp.concatenate([b0_ref[t:t + 1, :] for t in range(num_types)], axis=1)
        b0c_s[...] = jnp.transpose(b0row)
        c_iota = jax.lax.broadcasted_iota(jnp.int32, (num_types, th), 1)
        r_iota = jax.lax.broadcasted_iota(jnp.int32, (num_types, th), 0)
        w1tile = jnp.tile(w1_ref[...], (1, num_types))
        ewt_s[...] = jnp.where(c_iota // neurons == r_iota, w1tile, 0.0)

    qb = q_ref[...]
    pt = jax.lax.dot_general(w0r_s[...], qb, (((0,), (1,)), ((), ())),
                             preferred_element_type=jnp.float32)
    ht = jnp.tanh(pt + b0c_s[...])
    st = jnp.dot(ewt_s[...], ht, preferred_element_type=jnp.float32)
    o_ref[...] = st + b1_ref[0, 0]


def _make_select(n, num_types):
    info = plsc.get_sparse_core_info()
    nc, ns, lanes = info.num_cores, info.num_subcores, info.num_lanes
    nw = nc * ns
    per_w = n // nw
    mesh = plsc.VectorSubcoreMesh(core_axis_name="c", subcore_axis_name="s")

    @functools.partial(
        pl.kernel, mesh=mesh,
        out_type=jax.ShapeDtypeStruct((n,), jnp.float32),
        scratch_types=[
            pltpu.VMEM((num_types * per_w,), jnp.float32),
            pltpu.VMEM((per_w,), jnp.int32),
            pltpu.VMEM((per_w,), jnp.float32),
        ],
    )
    def select(st_hbm, z_hbm, out_hbm, slab_v, z_v, f_v):
        wid = lax.axis_index("s") * nc + lax.axis_index("c")
        base = wid * per_w
        for t in range(num_types):
            pltpu.sync_copy(st_hbm.at[t, pl.ds(base, per_w)],
                            slab_v.at[pl.ds(t * per_w, per_w)])
        pltpu.sync_copy(z_hbm.at[pl.ds(base, per_w)], z_v)
        for i in range(per_w // lanes):
            zi = z_v[pl.ds(i * lanes, lanes)]
            acc = slab_v[pl.ds(i * lanes, lanes)]
            for t in range(1, num_types):
                row = slab_v[pl.ds(t * per_w + i * lanes, lanes)]
                acc = jnp.where(zi == t, row, acc)
            f_v[pl.ds(i * lanes, lanes)] = acc
        pltpu.sync_copy(f_v, out_hbm.at[pl.ds(base, per_w)])

    return select


def kernel(q, Z, W0, b0, W1, b1):
    n, d = q.shape
    num_types, _, neurons = W0.shape
    th = num_types * neurons
    blk = 4096
    grid = n // blk

    b1a = jnp.full((1, 1), b1, dtype=jnp.float32)

    st = pl.pallas_call(
        functools.partial(_scores_kernel, num_types=num_types),
        grid=(grid,),
        in_specs=[
            pl.BlockSpec((blk, d), lambda i: (i, 0)),
            pl.BlockSpec((num_types, d, neurons), lambda i: (0, 0, 0)),
            pl.BlockSpec((num_types, neurons), lambda i: (0, 0)),
            pl.BlockSpec((num_types, neurons), lambda i: (0, 0)),
            pl.BlockSpec((1, 1), lambda i: (0, 0)),
        ],
        out_specs=pl.BlockSpec((num_types, blk), lambda i: (0, i)),
        out_shape=jax.ShapeDtypeStruct((num_types, n), jnp.float32),
        scratch_shapes=[
            pltpu.VMEM((d, th), jnp.float32),
            pltpu.VMEM((th, 1), jnp.float32),
            pltpu.VMEM((num_types, th), jnp.float32),
        ],
    )(q, W0, b0, W1, b1a)

    return _make_select(n, num_types)(st, Z)

# --- scband reference (transcript-rebuilt; emitter-appended) ---
"""Pipeline reference for scband-tnepper-type-ann-11338713661486 (READ-ONLY COPY).

The authoritative reference and input builder live on the scoring server;
editing this copy changes nothing except your own understanding.
"""

import jax, jax.numpy as jnp
import numpy as np

N = 8192
DIM_Q = 128
NUM_TYPES = 8
NEURONS = 64


def setup_inputs(seed: int = 0) -> dict:
    key = jax.random.key(seed)
    k1, k2, k3, k4 = jax.random.split(key, 4)
    q = jax.random.normal(k1, (N, DIM_Q), dtype=jnp.float32)
    Z = jax.random.randint(k2, (N,), 0, NUM_TYPES, dtype=jnp.int32)
    limit0 = float(np.sqrt(6.0 / (DIM_Q + NEURONS)))
    W0 = jax.random.uniform(k3, (NUM_TYPES, DIM_Q, NEURONS), minval=-limit0, maxval=limit0, dtype=jnp.float32)
    b0 = jnp.zeros((NUM_TYPES, NEURONS), dtype=jnp.float32)
    limit1 = float(np.sqrt(6.0 / (NEURONS + 1)))
    W1 = jax.random.uniform(k4, (NUM_TYPES, NEURONS), minval=-limit1, maxval=limit1, dtype=jnp.float32)
    b1 = jnp.zeros((), dtype=jnp.float32)
    return {"q": q, "Z": Z, "W0": W0, "b0": b0, "W1": W1, "b1": b1}


def reference(q, Z, W0, b0, W1, b1):
    # Per-atom gather of the per-type expert weights (MoE-style routing with top-1 hard assignment)
    W0_t = jnp.take(W0, Z, axis=0)          # [N, dim_q, neurons]
    b0_t = jnp.take(b0, Z, axis=0)          # [N, neurons]
    W1_t = jnp.take(W1, Z, axis=0)          # [N, neurons]
    # h = q @ W0[Z] + b0[Z]  (batched matvec, matches tf.matmul(q_exp, W0_t))
    h = jnp.einsum('nd,ndh->nh', q, W0_t) + b0_t
    h = jnp.tanh(h)
    F = jnp.sum(h * W1_t, axis=-1) + b1     # [N]
    return F

if __name__ == "__main__":
    import jax
    _d = setup_inputs()
    print(jax.jit(kernel)(*tuple(_d.values())))

</pallas_src>

<mosaic_0001>
#map = affine_map<(d0, d1) -> (0, 0)>
#map1 = affine_map<(d0, d1) -> (0)>
module attributes {stable_mosaic.version = 14 : i64} {
  func.func @select(%arg0: i32, %arg1: i32, %arg2: memref<8x8192xf32, #tpu.memory_space<hbm>>, %arg3: memref<8192xi32, #tpu.memory_space<hbm>>, %arg4: memref<8192xf32, #tpu.memory_space<hbm>>, %arg5: memref<2048xf32, #tpu.memory_space<vmem>>, %arg6: memref<256xi32, #tpu.memory_space<vmem>>, %arg7: memref<256xf32, #tpu.memory_space<vmem>>) attributes {dimension_semantics = [#tpu.dimension_semantics<core_parallel>, #tpu.dimension_semantics<subcore_parallel>], iteration_bounds = array<i64: 2, 16>, scalar_prefetch = 0 : i64, scratch_operands = 3 : i64, tpu.core_type = #tpu.core_type<sc_vector_subcore>, window_params = [{transform_indices = #map}, {transform_indices = #map1}, {transform_indices = #map1}]} {
    %mul3A = arith.constant 2 : i32
    %mul3A_0 = arith.muli %arg1, %mul3A : i32
    %add3A = arith.addi %mul3A_0, %arg0 : i32
    %mul3A_1 = arith.constant 256 : i32
    %mul3A_2 = arith.muli %add3A, %mul3A_1 : i32
    %run_scoped3A = arith.constant 0 : i32
    "tpu.region"() ({
      %run_scoped3A_950 = tpu.sem_alloc : memref<!tpu.dma_semaphore, #tpu.memory_space<semaphore_mem>>
      %dma_start3A = arith.constant 0 : i32
      %dma_start3A_951 = tpu.memref_slice %arg5[%dma_start3A] : memref<2048xf32, #tpu.memory_space<vmem>> -> memref<256xf32, #tpu.memory_space<vmem>>
      %dma_start3A_952 = tpu.memref_slice %arg2[%run_scoped3A, %mul3A_2] : memref<8x8192xf32, #tpu.memory_space<hbm>> -> memref<1x256xf32, #tpu.memory_space<hbm>>
      %dma_start3A_953 = tpu.memref_squeeze %dma_start3A_952 : memref<1x256xf32, #tpu.memory_space<hbm>> -> memref<256xf32, #tpu.memory_space<hbm>>
      %dma_start3A_954 = arith.constant 0 : i32
      %dma_start3A_955 = tpu.memref_slice %arg5[%dma_start3A_954] : memref<2048xf32, #tpu.memory_space<vmem>> -> memref<256xf32, #tpu.memory_space<vmem>>
      %dma_start3A_956 = tpu.memref_slice %arg2[%run_scoped3A, %mul3A_2] : memref<8x8192xf32, #tpu.memory_space<hbm>> -> memref<1x256xf32, #tpu.memory_space<hbm>>
      %dma_start3A_957 = tpu.memref_squeeze %dma_start3A_956 : memref<1x256xf32, #tpu.memory_space<hbm>> -> memref<256xf32, #tpu.memory_space<hbm>>
      tpu.enqueue_dma source(%dma_start3A_957 : memref<256xf32, #tpu.memory_space<hbm>>) target(%dma_start3A_955 : memref<256xf32, #tpu.memory_space<vmem>>) target_semaphore(%run_scoped3A_950 : memref<!tpu.dma_semaphore, #tpu.memory_space<semaphore_mem>>)
      %dma_wait3A = arith.constant 0 : i32
      %dma_wait3A_958 = tpu.memref_slice %arg5[%dma_wait3A] : memref<2048xf32, #tpu.memory_space<vmem>> -> memref<256xf32, #tpu.memory_space<vmem>>
      %dma_wait3A_959 = tpu.memref_slice %arg2[%run_scoped3A, %mul3A_2] : memref<8x8192xf32, #tpu.memory_space<hbm>> -> memref<1x256xf32, #tpu.memory_space<hbm>>
      %dma_wait3A_960 = tpu.memref_squeeze %dma_wait3A_959 : memref<1x256xf32, #tpu.memory_space<hbm>> -> memref<256xf32, #tpu.memory_space<hbm>>
      %dma_wait3A_961 = arith.constant 0 : i32
      %dma_wait3A_962 = tpu.memref_slice %arg5[%dma_wait3A_961] : memref<2048xf32, #tpu.memory_space<vmem>> -> memref<256xf32, #tpu.memory_space<vmem>>
      %dma_wait3A_963 = tpu.memref_slice %arg2[%run_scoped3A, %mul3A_2] : memref<8x8192xf32, #tpu.memory_space<hbm>> -> memref<1x256xf32, #tpu.memory_space<hbm>>
      %dma_wait3A_964 = tpu.memref_squeeze %dma_wait3A_963 : memref<1x256xf32, #tpu.memory_space<hbm>> -> memref<256xf32, #tpu.memory_space<hbm>>
      tpu.wait_dma2 semaphore(%run_scoped3A_950 : memref<!tpu.dma_semaphore, #tpu.memory_space<semaphore_mem>>) src(%dma_wait3A_964 : memref<256xf32, #tpu.memory_space<hbm>>) dst(%dma_wait3A_962 : memref<256xf32, #tpu.memory_space<vmem>>)
      tpu.yield
    }) : () -> ()
    %run_scoped3A_3 = arith.constant 1 : i32
    "tpu.region"() ({
      %run_scoped3A_950 = tpu.sem_alloc : memref<!tpu.dma_semaphore, #tpu.memory_space<semaphore_mem>>
      %dma_start3A = arith.constant 256 : i32
      %dma_start3A_951 = tpu.memref_slice %arg5[%dma_start3A] : memref<2048xf32, #tpu.memory_space<vmem>> -> memref<256xf32, #tpu.memory_space<vmem>>
      %dma_start3A_952 = tpu.memref_slice %arg2[%run_scoped3A_3, %mul3A_2] : memref<8x8192xf32, #tpu.memory_space<hbm>> -> memref<1x256xf32, #tpu.memory_space<hbm>>
      %dma_start3A_953 = tpu.memref_squeeze %dma_start3A_952 : memref<1x256xf32, #tpu.memory_space<hbm>> -> memref<256xf32, #tpu.memory_space<hbm>>
      %dma_start3A_954 = arith.constant 256 : i32
      %dma_start3A_955 = tpu.memref_slice %arg5[%dma_start3A_954] : memref<2048xf32, #tpu.memory_space<vmem>> -> memref<256xf32, #tpu.memory_space<vmem>>
      %dma_start3A_956 = tpu.memref_slice %arg2[%run_scoped3A_3, %mul3A_2] : memref<8x8192xf32, #tpu.memory_space<hbm>> -> memref<1x256xf32, #tpu.memory_space<hbm>>
      %dma_start3A_957 = tpu.memref_squeeze %dma_start3A_956 : memref<1x256xf32, #tpu.memory_space<hbm>> -> memref<256xf32, #tpu.memory_space<hbm>>
      tpu.enqueue_dma source(%dma_start3A_957 : memref<256xf32, #tpu.memory_space<hbm>>) target(%dma_start3A_955 : memref<256xf32, #tpu.memory_space<vmem>>) target_semaphore(%run_scoped3A_950 : memref<!tpu.dma_semaphore, #tpu.memory_space<semaphore_mem>>)
      %dma_wait3A = arith.constant 256 : i32
      %dma_wait3A_958 = tpu.memref_slice %arg5[%dma_wait3A] : memref<2048xf32, #tpu.memory_space<vmem>> -> memref<256xf32, #tpu.memory_space<vmem>>
      %dma_wait3A_959 = tpu.memref_slice %arg2[%run_scoped3A_3, %mul3A_2] : memref<8x8192xf32, #tpu.memory_space<hbm>> -> memref<1x256xf32, #tpu.memory_space<hbm>>
      %dma_wait3A_960 = tpu.memref_squeeze %dma_wait3A_959 : memref<1x256xf32, #tpu.memory_space<hbm>> -> memref<256xf32, #tpu.memory_space<hbm>>
      %dma_wait3A_961 = arith.constant 256 : i32
      %dma_wait3A_962 = tpu.memref_slice %arg5[%dma_wait3A_961] : memref<2048xf32, #tpu.memory_space<vmem>> -> memref<256xf32, #tpu.memory_space<vmem>>
      %dma_wait3A_963 = tpu.memref_slice %arg2[%run_scoped3A_3, %mul3A_2] : memref<8x8192xf32, #tpu.memory_space<hbm>> -> memref<1x256xf32, #tpu.memory_space<hbm>>
      %dma_wait3A_964 = tpu.memref_squeeze %dma_wait3A_963 : memref<1x256xf32, #tpu.memory_space<hbm>> -> memref<256xf32, #tpu.memory_space<hbm>>
      tpu.wait_dma2 semaphore(%run_scoped3A_950 : memref<!tpu.dma_semaphore, #tpu.memory_space<semaphore_mem>>) src(%dma_wait3A_964 : memref<256xf32, #tpu.memory_space<hbm>>) dst(%dma_wait3A_962 : memref<256xf32, #tpu.memory_space<vmem>>)
      tpu.yield
    }) : () -> ()
    %run_scoped3A_4 = arith.constant 2 : i32
    "tpu.region"() ({
      %run_scoped3A_950 = tpu.sem_alloc : memref<!tpu.dma_semaphore, #tpu.memory_space<semaphore_mem>>
      %dma_start3A = arith.constant 512 : i32
      %dma_start3A_951 = tpu.memref_slice %arg5[%dma_start3A] : memref<2048xf32, #tpu.memory_space<vmem>> -> memref<256xf32, #tpu.memory_space<vmem>>
      %dma_start3A_952 = tpu.memref_slice %arg2[%run_scoped3A_4, %mul3A_2] : memref<8x8192xf32, #tpu.memory_space<hbm>> -> memref<1x256xf32, #tpu.memory_space<hbm>>
      %dma_start3A_953 = tpu.memref_squeeze %dma_start3A_952 : memref<1x256xf32, #tpu.memory_space<hbm>> -> memref<256xf32, #tpu.memory_space<hbm>>
      %dma_start3A_954 = arith.constant 512 : i32
      %dma_start3A_955 = tpu.memref_slice %arg5[%dma_start3A_954] : memref<2048xf32, #tpu.memory_space<vmem>> -> memref<256xf32, #tpu.memory_space<vmem>>
      %dma_start3A_956 = tpu.memref_slice %arg2[%run_scoped3A_4, %mul3A_2] : memref<8x8192xf32, #tpu.memory_space<hbm>> -> memref<1x256xf32, #tpu.memory_space<hbm>>
      %dma_start3A_957 = tpu.memref_squeeze %dma_start3A_956 : memref<1x256xf32, #tpu.memory_space<hbm>> -> memref<256xf32, #tpu.memory_space<hbm>>
      tpu.enqueue_dma source(%dma_start3A_957 : memref<256xf32, #tpu.memory_space<hbm>>) target(%dma_start3A_955 : memref<256xf32, #tpu.memory_space<vmem>>) target_semaphore(%run_scoped3A_950 : memref<!tpu.dma_semaphore, #tpu.memory_space<semaphore_mem>>)
      %dma_wait3A = arith.constant 512 : i32
      %dma_wait3A_958 = tpu.memref_slice %arg5[%dma_wait3A] : memref<2048xf32, #tpu.memory_space<vmem>> -> memref<256xf32, #tpu.memory_space<vmem>>
      %dma_wait3A_959 = tpu.memref_slice %arg2[%run_scoped3A_4, %mul3A_2] : memref<8x8192xf32, #tpu.memory_space<hbm>> -> memref<1x256xf32, #tpu.memory_space<hbm>>
      %dma_wait3A_960 = tpu.memref_squeeze %dma_wait3A_959 : memref<1x256xf32, #tpu.memory_space<hbm>> -> memref<256xf32, #tpu.memory_space<hbm>>
      %dma_wait3A_961 = arith.constant 512 : i32
      %dma_wait3A_962 = tpu.memref_slice %arg5[%dma_wait3A_961] : memref<2048xf32, #tpu.memory_space<vmem>> -> memref<256xf32, #tpu.memory_space<vmem>>
      %dma_wait3A_963 = tpu.memref_slice %arg2[%run_scoped3A_4, %mul3A_2] : memref<8x8192xf32, #tpu.memory_space<hbm>> -> memref<1x256xf32, #tpu.memory_space<hbm>>
      %dma_wait3A_964 = tpu.memref_squeeze %dma_wait3A_963 : memref<1x256xf32, #tpu.memory_space<hbm>> -> memref<256xf32, #tpu.memory_space<hbm>>
      tpu.wait_dma2 semaphore(%run_scoped3A_950 : memref<!tpu.dma_semaphore, #tpu.memory_space<semaphore_mem>>) src(%dma_wait3A_964 : memref<256xf32, #tpu.memory_space<hbm>>) dst(%dma_wait3A_962 : memref<256xf32, #tpu.memory_space<vmem>>)
      tpu.yield
    }) : () -> ()
    %run_scoped3A_5 = arith.constant 3 : i32
    "tpu.region"() ({
      %run_scoped3A_950 = tpu.sem_alloc : memref<!tpu.dma_semaphore, #tpu.memory_space<semaphore_mem>>
      %dma_start3A = arith.constant 768 : i32
      %dma_start3A_951 = tpu.memref_slice %arg5[%dma_start3A] : memref<2048xf32, #tpu.memory_space<vmem>> -> memref<256xf32, #tpu.memory_space<vmem>>
      %dma_start3A_952 = tpu.memref_slice %arg2[%run_scoped3A_5, %mul3A_2] : memref<8x8192xf32, #tpu.memory_space<hbm>> -> memref<1x256xf32, #tpu.memory_space<hbm>>
      %dma_start3A_953 = tpu.memref_squeeze %dma_start3A_952 : memref<1x256xf32, #tpu.memory_space<hbm>> -> memref<256xf32, #tpu.memory_space<hbm>>
      %dma_start3A_954 = arith.constant 768 : i32
      %dma_start3A_955 = tpu.memref_slice %arg5[%dma_start3A_954] : memref<2048xf32, #tpu.memory_space<vmem>> -> memref<256xf32, #tpu.memory_space<vmem>>
      %dma_start3A_956 = tpu.memref_slice %arg2[%run_scoped3A_5, %mul3A_2] : memref<8x8192xf32, #tpu.memory_space<hbm>> -> memref<1x256xf32, #tpu.memory_space<hbm>>
      %dma_start3A_957 = tpu.memref_squeeze %dma_start3A_956 : memref<1x256xf32, #tpu.memory_space<hbm>> -> memref<256xf32, #tpu.memory_space<hbm>>
      tpu.enqueue_dma source(%dma_start3A_957 : memref<256xf32, #tpu.memory_space<hbm>>) target(%dma_start3A_955 : memref<256xf32, #tpu.memory_space<vmem>>) target_semaphore(%run_scoped3A_950 : memref<!tpu.dma_semaphore, #tpu.memory_space<semaphore_mem>>)
      %dma_wait3A = arith.constant 768 : i32
      %dma_wait3A_958 = tpu.memref_slice %arg5[%dma_wait3A] : memref<2048xf32, #tpu.memory_space<vmem>> -> memref<256xf32, #tpu.memory_space<vmem>>
      %dma_wait3A_959 = tpu.memref_slice %arg2[%run_scoped3A_5, %mul3A_2] : memref<8x8192xf32, #tpu.memory_space<hbm>> -> memref<1x256xf32, #tpu.memory_space<hbm>>
      %dma_wait3A_960 = tpu.memref_squeeze %dma_wait3A_959 : memref<1x256xf32, #tpu.memory_space<hbm>> -> memref<256xf32, #tpu.memory_space<hbm>>
      %dma_wait3A_961 = arith.constant 768 : i32
      %dma_wait3A_962 = tpu.memref_slice %arg5[%dma_wait3A_961] : memref<2048xf32, #tpu.memory_space<vmem>> -> memref<256xf32, #tpu.memory_space<vmem>>
      %dma_wait3A_963 = tpu.memref_slice %arg2[%run_scoped3A_5, %mul3A_2] : memref<8x8192xf32, #tpu.memory_space<hbm>> -> memref<1x256xf32, #tpu.memory_space<hbm>>
      %dma_wait3A_964 = tpu.memref_squeeze %dma_wait3A_963 : memref<1x256xf32, #tpu.memory_space<hbm>> -> memref<256xf32, #tpu.memory_space<hbm>>
      tpu.wait_dma2 semaphore(%run_scoped3A_950 : memref<!tpu.dma_semaphore, #tpu.memory_space<semaphore_mem>>) src(%dma_wait3A_964 : memref<256xf32, #tpu.memory_space<hbm>>) dst(%dma_wait3A_962 : memref<256xf32, #tpu.memory_space<vmem>>)
      tpu.yield
    }) : () -> ()
    %run_scoped3A_6 = arith.constant 4 : i32
    "tpu.region"() ({
      %run_scoped3A_950 = tpu.sem_alloc : memref<!tpu.dma_semaphore, #tpu.memory_space<semaphore_mem>>
      %dma_start3A = arith.constant 1024 : i32
      %dma_start3A_951 = tpu.memref_slice %arg5[%dma_start3A] : memref<2048xf32, #tpu.memory_space<vmem>> -> memref<256xf32, #tpu.memory_space<vmem>>
      %dma_start3A_952 = tpu.memref_slice %arg2[%run_scoped3A_6, %mul3A_2] : memref<8x8192xf32, #tpu.memory_space<hbm>> -> memref<1x256xf32, #tpu.memory_space<hbm>>
      %dma_start3A_953 = tpu.memref_squeeze %dma_start3A_952 : memref<1x256xf32, #tpu.memory_space<hbm>> -> memref<256xf32, #tpu.memory_space<hbm>>
      %dma_start3A_954 = arith.constant 1024 : i32
      %dma_start3A_955 = tpu.memref_slice %arg5[%dma_start3A_954] : memref<2048xf32, #tpu.memory_space<vmem>> -> memref<256xf32, #tpu.memory_space<vmem>>
      %dma_start3A_956 = tpu.memref_slice %arg2[%run_scoped3A_6, %mul3A_2] : memref<8x8192xf32, #tpu.memory_space<hbm>> -> memref<1x256xf32, #tpu.memory_space<hbm>>
      %dma_start3A_957 = tpu.memref_squeeze %dma_start3A_956 : memref<1x256xf32, #tpu.memory_space<hbm>> -> memref<256xf32, #tpu.memory_space<hbm>>
      tpu.enqueue_dma source(%dma_start3A_957 : memref<256xf32, #tpu.memory_space<hbm>>) target(%dma_start3A_955 : memref<256xf32, #tpu.memory_space<vmem>>) target_semaphore(%run_scoped3A_950 : memref<!tpu.dma_semaphore, #tpu.memory_space<semaphore_mem>>)
      %dma_wait3A = arith.constant 1024 : i32
      %dma_wait3A_958 = tpu.memref_slice %arg5[%dma_wait3A] : memref<2048xf32, #tpu.memory_space<vmem>> -> memref<256xf32, #tpu.memory_space<vmem>>
      %dma_wait3A_959 = tpu.memref_slice %arg2[%run_scoped3A_6, %mul3A_2] : memref<8x8192xf32, #tpu.memory_space<hbm>> -> memref<1x256xf32, #tpu.memory_space<hbm>>
      %dma_wait3A_960 = tpu.memref_squeeze %dma_wait3A_959 : memref<1x256xf32, #tpu.memory_space<hbm>> -> memref<256xf32, #tpu.memory_space<hbm>>
      %dma_wait3A_961 = arith.constant 1024 : i32
      %dma_wait3A_962 = tpu.memref_slice %arg5[%dma_wait3A_961] : memref<2048xf32, #tpu.memory_space<vmem>> -> memref<256xf32, #tpu.memory_space<vmem>>
      %dma_wait3A_963 = tpu.memref_slice %arg2[%run_scoped3A_6, %mul3A_2] : memref<8x8192xf32, #tpu.memory_space<hbm>> -> memref<1x256xf32, #tpu.memory_space<hbm>>
      %dma_wait3A_964 = tpu.memref_squeeze %dma_wait3A_963 : memref<1x256xf32, #tpu.memory_space<hbm>> -> memref<256xf32, #tpu.memory_space<hbm>>
      tpu.wait_dma2 semaphore(%run_scoped3A_950 : memref<!tpu.dma_semaphore, #tpu.memory_space<semaphore_mem>>) src(%dma_wait3A_964 : memref<256xf32, #tpu.memory_space<hbm>>) dst(%dma_wait3A_962 : memref<256xf32, #tpu.memory_space<vmem>>)
      tpu.yield
    }) : () -> ()
    %run_scoped3A_7 = arith.constant 5 : i32
    "tpu.region"() ({
      %run_scoped3A_950 = tpu.sem_alloc : memref<!tpu.dma_semaphore, #tpu.memory_space<semaphore_mem>>
      %dma_start3A = arith.constant 1280 : i32
      %dma_start3A_951 = tpu.memref_slice %arg5[%dma_start3A] : memref<2048xf32, #tpu.memory_space<vmem>> -> memref<256xf32, #tpu.memory_space<vmem>>
      %dma_start3A_952 = tpu.memref_slice %arg2[%run_scoped3A_7, %mul3A_2] : memref<8x8192xf32, #tpu.memory_space<hbm>> -> memref<1x256xf32, #tpu.memory_space<hbm>>
      %dma_start3A_953 = tpu.memref_squeeze %dma_start3A_952 : memref<1x256xf32, #tpu.memory_space<hbm>> -> memref<256xf32, #tpu.memory_space<hbm>>
      %dma_start3A_954 = arith.constant 1280 : i32
      %dma_start3A_955 = tpu.memref_slice %arg5[%dma_start3A_954] : memref<2048xf32, #tpu.memory_space<vmem>> -> memref<256xf32, #tpu.memory_space<vmem>>
      %dma_start3A_956 = tpu.memref_slice %arg2[%run_scoped3A_7, %mul3A_2] : memref<8x8192xf32, #tpu.memory_space<hbm>> -> memref<1x256xf32, #tpu.memory_space<hbm>>
      %dma_start3A_957 = tpu.memref_squeeze %dma_start3A_956 : memref<1x256xf32, #tpu.memory_space<hbm>> -> memref<256xf32, #tpu.memory_space<hbm>>
      tpu.enqueue_dma source(%dma_start3A_957 : memref<256xf32, #tpu.memory_space<hbm>>) target(%dma_start3A_955 : memref<256xf32, #tpu.memory_space<vmem>>) target_semaphore(%run_scoped3A_950 : memref<!tpu.dma_semaphore, #tpu.memory_space<semaphore_mem>>)
      %dma_wait3A = arith.constant 1280 : i32
      %dma_wait3A_958 = tpu.memref_slice %arg5[%dma_wait3A] : memref<2048xf32, #tpu.memory_space<vmem>> -> memref<256xf32, #tpu.memory_space<vmem>>
      %dma_wait3A_959 = tpu.memref_slice %arg2[%run_scoped3A_7, %mul3A_2] : memref<8x8192xf32, #tpu.memory_space<hbm>> -> memref<1x256xf32, #tpu.memory_space<hbm>>
      %dma_wait3A_960 = tpu.memref_squeeze %dma_wait3A_959 : memref<1x256xf32, #tpu.memory_space<hbm>> -> memref<256xf32, #tpu.memory_space<hbm>>
      %dma_wait3A_961 = arith.constant 1280 : i32
      %dma_wait3A_962 = tpu.memref_slice %arg5[%dma_wait3A_961] : memref<2048xf32, #tpu.memory_space<vmem>> -> memref<256xf32, #tpu.memory_space<vmem>>
      %dma_wait3A_963 = tpu.memref_slice %arg2[%run_scoped3A_7, %mul3A_2] : memref<8x8192xf32, #tpu.memory_space<hbm>> -> memref<1x256xf32, #tpu.memory_space<hbm>>
      %dma_wait3A_964 = tpu.memref_squeeze %dma_wait3A_963 : memref<1x256xf32, #tpu.memory_space<hbm>> -> memref<256xf32, #tpu.memory_space<hbm>>
      tpu.wait_dma2 semaphore(%run_scoped3A_950 : memref<!tpu.dma_semaphore, #tpu.memory_space<semaphore_mem>>) src(%dma_wait3A_964 : memref<256xf32, #tpu.memory_space<hbm>>) dst(%dma_wait3A_962 : memref<256xf32, #tpu.memory_space<vmem>>)
      tpu.yield
    }) : () -> ()
    %run_scoped3A_8 = arith.constant 6 : i32
    "tpu.region"() ({
      %run_scoped3A_950 = tpu.sem_alloc : memref<!tpu.dma_semaphore, #tpu.memory_space<semaphore_mem>>
      %dma_start3A = arith.constant 1536 : i32
      %dma_start3A_951 = tpu.memref_slice %arg5[%dma_start3A] : memref<2048xf32, #tpu.memory_space<vmem>> -> memref<256xf32, #tpu.memory_space<vmem>>
      %dma_start3A_952 = tpu.memref_slice %arg2[%run_scoped3A_8, %mul3A_2] : memref<8x8192xf32, #tpu.memory_space<hbm>> -> memref<1x256xf32, #tpu.memory_space<hbm>>
      %dma_start3A_953 = tpu.memref_squeeze %dma_start3A_952 : memref<1x256xf32, #tpu.memory_space<hbm>> -> memref<256xf32, #tpu.memory_space<hbm>>
      %dma_start3A_954 = arith.constant 1536 : i32
      %dma_start3A_955 = tpu.memref_slice %arg5[%dma_start3A_954] : memref<2048xf32, #tpu.memory_space<vmem>> -> memref<256xf32, #tpu.memory_space<vmem>>
      %dma_start3A_956 = tpu.memref_slice %arg2[%run_scoped3A_8, %mul3A_2] : memref<8x8192xf32, #tpu.memory_space<hbm>> -> memref<1x256xf32, #tpu.memory_space<hbm>>
      %dma_start3A_957 = tpu.memref_squeeze %dma_start3A_956 : memref<1x256xf32, #tpu.memory_space<hbm>> -> memref<256xf32, #tpu.memory_space<hbm>>
      tpu.enqueue_dma source(%dma_start3A_957 : memref<256xf32, #tpu.memory_space<hbm>>) target(%dma_start3A_955 : memref<256xf32, #tpu.memory_space<vmem>>) target_semaphore(%run_scoped3A_950 : memref<!tpu.dma_semaphore, #tpu.memory_space<semaphore_mem>>)
      %dma_wait3A = arith.constant 1536 : i32
      %dma_wait3A_958 = tpu.memref_slice %arg5[%dma_wait3A] : memref<2048xf32, #tpu.memory_space<vmem>> -> memref<256xf32, #tpu.memory_space<vmem>>
      %dma_wait3A_959 = tpu.memref_slice %arg2[%run_scoped3A_8, %mul3A_2] : memref<8x8192xf32, #tpu.memory_space<hbm>> -> memref<1x256xf32, #tpu.memory_space<hbm>>
      %dma_wait3A_960 = tpu.memref_squeeze %dma_wait3A_959 : memref<1x256xf32, #tpu.memory_space<hbm>> -> memref<256xf32, #tpu.memory_space<hbm>>
      %dma_wait3A_961 = arith.constant 1536 : i32
      %dma_wait3A_962 = tpu.memref_slice %arg5[%dma_wait3A_961] : memref<2048xf32, #tpu.memory_space<vmem>> -> memref<256xf32, #tpu.memory_space<vmem>>
      %dma_wait3A_963 = tpu.memref_slice %arg2[%run_scoped3A_8, %mul3A_2] : memref<8x8192xf32, #tpu.memory_space<hbm>> -> memref<1x256xf32, #tpu.memory_space<hbm>>
      %dma_wait3A_964 = tpu.memref_squeeze %dma_wait3A_963 : memref<1x256xf32, #tpu.memory_space<hbm>> -> memref<256xf32, #tpu.memory_space<hbm>>
      tpu.wait_dma2 semaphore(%run_scoped3A_950 : memref<!tpu.dma_semaphore, #tpu.memory_space<semaphore_mem>>) src(%dma_wait3A_964 : memref<256xf32, #tpu.memory_space<hbm>>) dst(%dma_wait3A_962 : memref<256xf32, #tpu.memory_space<vmem>>)
      tpu.yield
    }) : () -> ()
    %run_scoped3A_9 = arith.constant 7 : i32
    "tpu.region"() ({
      %run_scoped3A_950 = tpu.sem_alloc : memref<!tpu.dma_semaphore, #tpu.memory_space<semaphore_mem>>
      %dma_start3A = arith.constant 1792 : i32
      %dma_start3A_951 = tpu.memref_slice %arg5[%dma_start3A] : memref<2048xf32, #tpu.memory_space<vmem>> -> memref<256xf32, #tpu.memory_space<vmem>>
      %dma_start3A_952 = tpu.memref_slice %arg2[%run_scoped3A_9, %mul3A_2] : memref<8x8192xf32, #tpu.memory_space<hbm>> -> memref<1x256xf32, #tpu.memory_space<hbm>>
      %dma_start3A_953 = tpu.memref_squeeze %dma_start3A_952 : memref<1x256xf32, #tpu.memory_space<hbm>> -> memref<256xf32, #tpu.memory_space<hbm>>
      %dma_start3A_954 = arith.constant 1792 : i32
      %dma_start3A_955 = tpu.memref_slice %arg5[%dma_start3A_954] : memref<2048xf32, #tpu.memory_space<vmem>> -> memref<256xf32, #tpu.memory_space<vmem>>
      %dma_start3A_956 = tpu.memref_slice %arg2[%run_scoped3A_9, %mul3A_2] : memref<8x8192xf32, #tpu.memory_space<hbm>> -> memref<1x256xf32, #tpu.memory_space<hbm>>
      %dma_start3A_957 = tpu.memref_squeeze %dma_start3A_956 : memref<1x256xf32, #tpu.memory_space<hbm>> -> memref<256xf32, #tpu.memory_space<hbm>>
      tpu.enqueue_dma source(%dma_start3A_957 : memref<256xf32, #tpu.memory_space<hbm>>) target(%dma_start3A_955 : memref<256xf32, #tpu.memory_space<vmem>>) target_semaphore(%run_scoped3A_950 : memref<!tpu.dma_semaphore, #tpu.memory_space<semaphore_mem>>)
      %dma_wait3A = arith.constant 1792 : i32
      %dma_wait3A_958 = tpu.memref_slice %arg5[%dma_wait3A] : memref<2048xf32, #tpu.memory_space<vmem>> -> memref<256xf32, #tpu.memory_space<vmem>>
      %dma_wait3A_959 = tpu.memref_slice %arg2[%run_scoped3A_9, %mul3A_2] : memref<8x8192xf32, #tpu.memory_space<hbm>> -> memref<1x256xf32, #tpu.memory_space<hbm>>
      %dma_wait3A_960 = tpu.memref_squeeze %dma_wait3A_959 : memref<1x256xf32, #tpu.memory_space<hbm>> -> memref<256xf32, #tpu.memory_space<hbm>>
      %dma_wait3A_961 = arith.constant 1792 : i32
      %dma_wait3A_962 = tpu.memref_slice %arg5[%dma_wait3A_961] : memref<2048xf32, #tpu.memory_space<vmem>> -> memref<256xf32, #tpu.memory_space<vmem>>
      %dma_wait3A_963 = tpu.memref_slice %arg2[%run_scoped3A_9, %mul3A_2] : memref<8x8192xf32, #tpu.memory_space<hbm>> -> memref<1x256xf32, #tpu.memory_space<hbm>>
      %dma_wait3A_964 = tpu.memref_squeeze %dma_wait3A_963 : memref<1x256xf32, #tpu.memory_space<hbm>> -> memref<256xf32, #tpu.memory_space<hbm>>
      tpu.wait_dma2 semaphore(%run_scoped3A_950 : memref<!tpu.dma_semaphore, #tpu.memory_space<semaphore_mem>>) src(%dma_wait3A_964 : memref<256xf32, #tpu.memory_space<hbm>>) dst(%dma_wait3A_962 : memref<256xf32, #tpu.memory_space<vmem>>)
      tpu.yield
    }) : () -> ()
    "tpu.region"() ({
      %run_scoped3A_950 = tpu.sem_alloc : memref<!tpu.dma_semaphore, #tpu.memory_space<semaphore_mem>>
      %dma_start3A = tpu.memref_slice %arg3[%mul3A_2] : memref<8192xi32, #tpu.memory_space<hbm>> -> memref<256xi32, #tpu.memory_space<hbm>>
      %dma_start3A_951 = tpu.memref_slice %arg3[%mul3A_2] : memref<8192xi32, #tpu.memory_space<hbm>> -> memref<256xi32, #tpu.memory_space<hbm>>
      tpu.enqueue_dma source(%dma_start3A_951 : memref<256xi32, #tpu.memory_space<hbm>>) target(%arg6 : memref<256xi32, #tpu.memory_space<vmem>>) target_semaphore(%run_scoped3A_950 : memref<!tpu.dma_semaphore, #tpu.memory_space<semaphore_mem>>)
      %dma_wait3A = tpu.memref_slice %arg3[%mul3A_2] : memref<8192xi32, #tpu.memory_space<hbm>> -> memref<256xi32, #tpu.memory_space<hbm>>
      %dma_wait3A_952 = tpu.memref_slice %arg3[%mul3A_2] : memref<8192xi32, #tpu.memory_space<hbm>> -> memref<256xi32, #tpu.memory_space<hbm>>
      tpu.wait_dma2 semaphore(%run_scoped3A_950 : memref<!tpu.dma_semaphore, #tpu.memory_space<semaphore_mem>>) src(%dma_wait3A_952 : memref<256xi32, #tpu.memory_space<hbm>>) dst(%arg6 : memref<256xi32, #tpu.memory_space<vmem>>)
      tpu.yield
    }) : () -> ()
    %get3A = arith.constant 0 : index
    %get3A_10 = tpu.vector_load %arg6[%get3A] {strides = array<i32>} : memref<256xi32, #tpu.memory_space<vmem>>, vector<16xi32>,
    %get3A_11 = vector.shape_cast %get3A_10 : vector<16xi32> to vector<16xi32>
    %get3A_12 = arith.constant 0 : index
    %get3A_13 = tpu.vector_load %arg5[%get3A_12] {strides = array<i32>} : memref<2048xf32, #tpu.memory_space<vmem>>, vector<16xf32>,
    %get3A_14 = vector.shape_cast %get3A_13 : vector<16xf32> to vector<16xf32>
    %get3A_15 = arith.constant 256 : index
    %get3A_16 = tpu.vector_load %arg5[%get3A_15] {strides = array<i32>} : memref<2048xf32, #tpu.memory_space<vmem>>, vector<16xf32>,
    %get3A_17 = vector.shape_cast %get3A_16 : vector<16xf32> to vector<16xf32>
    %eq3A = arith.constant 1 : i32
    %eq3A_18 = vector.broadcast %eq3A : i32 to vector<16xi32>
    %eq3A_19 = arith.cmpi eq, %get3A_11, %eq3A_18 : vector<16xi32>
    %select_n3A = arith.select %eq3A_19, %get3A_17, %get3A_14 : vector<16xi1>, vector<16xf32>
    %get3A_20 = arith.constant 512 : index
    %get3A_21 = tpu.vector_load %arg5[%get3A_20] {strides = array<i32>} : memref<2048xf32, #tpu.memory_space<vmem>>, vector<16xf32>,
    %get3A_22 = vector.shape_cast %get3A_21 : vector<16xf32> to vector<16xf32>
    %eq3A_23 = arith.constant 2 : i32
    %eq3A_24 = vector.broadcast %eq3A_23 : i32 to vector<16xi32>
    %eq3A_25 = arith.cmpi eq, %get3A_11, %eq3A_24 : vector<16xi32>
    %select_n3A_26 = arith.select %eq3A_25, %get3A_22, %select_n3A : vector<16xi1>, vector<16xf32>
    %get3A_27 = arith.constant 768 : index
    %get3A_28 = tpu.vector_load %arg5[%get3A_27] {strides = array<i32>} : memref<2048xf32, #tpu.memory_space<vmem>>, vector<16xf32>,
    %get3A_29 = vector.shape_cast %get3A_28 : vector<16xf32> to vector<16xf32>
    %eq3A_30 = arith.constant 3 : i32
    %eq3A_31 = vector.broadcast %eq3A_30 : i32 to vector<16xi32>
    %eq3A_32 = arith.cmpi eq, %get3A_11, %eq3A_31 : vector<16xi32>
    %select_n3A_33 = arith.select %eq3A_32, %get3A_29, %select_n3A_26 : vector<16xi1>, vector<16xf32>
    %get3A_34 = arith.constant 1024 : index
    %get3A_35 = tpu.vector_load %arg5[%get3A_34] {strides = array<i32>} : memref<2048xf32, #tpu.memory_space<vmem>>, vector<16xf32>,
    %get3A_36 = vector.shape_cast %get3A_35 : vector<16xf32> to vector<16xf32>
    %eq3A_37 = arith.constant 4 : i32
    %eq3A_38 = vector.broadcast %eq3A_37 : i32 to vector<16xi32>
    %eq3A_39 = arith.cmpi eq, %get3A_11, %eq3A_38 : vector<16xi32>
    %select_n3A_40 = arith.select %eq3A_39, %get3A_36, %select_n3A_33 : vector<16xi1>, vector<16xf32>
    %get3A_41 = arith.constant 1280 : index
    %get3A_42 = tpu.vector_load %arg5[%get3A_41] {strides = array<i32>} : memref<2048xf32, #tpu.memory_space<vmem>>, vector<16xf32>,
    %get3A_43 = vector.shape_cast %get3A_42 : vector<16xf32> to vector<16xf32>
    %eq3A_44 = arith.constant 5 : i32
    %eq3A_45 = vector.broadcast %eq3A_44 : i32 to vector<16xi32>
    %eq3A_46 = arith.cmpi eq, %get3A_11, %eq3A_45 : vector<16xi32>
    %select_n3A_47 = arith.select %eq3A_46, %get3A_43, %select_n3A_40 : vector<16xi1>, vector<16xf32>
    %get3A_48 = arith.constant 1536 : index
    %get3A_49 = tpu.vector_load %arg5[%get3A_48] {strides = array<i32>} : memref<2048xf32, #tpu.memory_space<vmem>>, vector<16xf32>,
    %get3A_50 = vector.shape_cast %get3A_49 : vector<16xf32> to vector<16xf32>
    %eq3A_51 = arith.constant 6 : i32
    %eq3A_52 = vector.broadcast %eq3A_51 : i32 to vector<16xi32>
    %eq3A_53 = arith.cmpi eq, %get3A_11, %eq3A_52 : vector<16xi32>
    %select_n3A_54 = arith.select %eq3A_53, %get3A_50, %select_n3A_47 : vector<16xi1>, vector<16xf32>
    %get3A_55 = arith.constant 1792 : index
    %get3A_56 = tpu.vector_load %arg5[%get3A_55] {strides = array<i32>} : memref<2048xf32, #tpu.memory_space<vmem>>, vector<16xf32>,
    %get3A_57 = vector.shape_cast %get3A_56 : vector<16xf32> to vector<16xf32>
    %eq3A_58 = arith.constant 7 : i32
    %eq3A_59 = vector.broadcast %eq3A_58 : i32 to vector<16xi32>
    %eq3A_60 = arith.cmpi eq, %get3A_11, %eq3A_59 : vector<16xi32>
    %select_n3A_61 = arith.select %eq3A_60, %get3A_57, %select_n3A_54 : vector<16xi1>, vector<16xf32>
    %swap3A = arith.constant 0 : index
    %swap3A_62 = tpu.vector_load %arg7[%swap3A] {strides = array<i32>} : memref<256xf32, #tpu.memory_space<vmem>>, vector<16xf32>,
    %swap3A_63 = vector.shape_cast %swap3A_62 : vector<16xf32> to vector<16xf32>
    %swap3A_64 = vector.shape_cast %select_n3A_61 : vector<16xf32> to vector<16xf32>
    tpu.vector_store %arg7[%swap3A], %swap3A_64 {strides = array<i32>} : memref<256xf32, #tpu.memory_space<vmem>>, vector<16xf32>,
    %get3A_65 = arith.constant 16 : index
    %get3A_66 = tpu.vector_load %arg6[%get3A_65] {strides = array<i32>} : memref<256xi32, #tpu.memory_space<vmem>>, vector<16xi32>,
    %get3A_67 = vector.shape_cast %get3A_66 : vector<16xi32> to vector<16xi32>
    %get3A_68 = arith.constant 16 : index
    %get3A_69 = tpu.vector_load %arg5[%get3A_68] {strides = array<i32>} : memref<2048xf32, #tpu.memory_space<vmem>>, vector<16xf32>,
    %get3A_70 = vector.shape_cast %get3A_69 : vector<16xf32> to vector<16xf32>
    %get3A_71 = arith.constant 272 : index
    %get3A_72 = tpu.vector_load %arg5[%get3A_71] {strides = array<i32>} : memref<2048xf32, #tpu.memory_space<vmem>>, vector<16xf32>,
    %get3A_73 = vector.shape_cast %get3A_72 : vector<16xf32> to vector<16xf32>
    %eq3A_74 = arith.constant 1 : i32
    %eq3A_75 = vector.broadcast %eq3A_74 : i32 to vector<16xi32>
    %eq3A_76 = arith.cmpi eq, %get3A_67, %eq3A_75 : vector<16xi32>
    %select_n3A_77 = arith.select %eq3A_76, %get3A_73, %get3A_70 : vector<16xi1>, vector<16xf32>
    %get3A_78 = arith.constant 528 : index
    %get3A_79 = tpu.vector_load %arg5[%get3A_78] {strides = array<i32>} : memref<2048xf32, #tpu.memory_space<vmem>>, vector<16xf32>,
    %get3A_80 = vector.shape_cast %get3A_79 : vector<16xf32> to vector<16xf32>
    %eq3A_81 = arith.constant 2 : i32
    %eq3A_82 = vector.broadcast %eq3A_81 : i32 to vector<16xi32>
    %eq3A_83 = arith.cmpi eq, %get3A_67, %eq3A_82 : vector<16xi32>
    %select_n3A_84 = arith.select %eq3A_83, %get3A_80, %select_n3A_77 : vector<16xi1>, vector<16xf32>
    %get3A_85 = arith.constant 784 : index
    %get3A_86 = tpu.vector_load %arg5[%get3A_85] {strides = array<i32>} : memref<2048xf32, #tpu.memory_space<vmem>>, vector<16xf32>,
    %get3A_87 = vector.shape_cast %get3A_86 : vector<16xf32> to vector<16xf32>
    %eq3A_88 = arith.constant 3 : i32
    %eq3A_89 = vector.broadcast %eq3A_88 : i32 to vector<16xi32>
    %eq3A_90 = arith.cmpi eq, %get3A_67, %eq3A_89 : vector<16xi32>
    %select_n3A_91 = arith.select %eq3A_90, %get3A_87, %select_n3A_84 : vector<16xi1>, vector<16xf32>
    %get3A_92 = arith.constant 1040 : index
    %get3A_93 = tpu.vector_load %arg5[%get3A_92] {strides = array<i32>} : memref<2048xf32, #tpu.memory_space<vmem>>, vector<16xf32>,
    %get3A_94 = vector.shape_cast %get3A_93 : vector<16xf32> to vector<16xf32>
    %eq3A_95 = arith.constant 4 : i32
    %eq3A_96 = vector.broadcast %eq3A_95 : i32 to vector<16xi32>
    %eq3A_97 = arith.cmpi eq, %get3A_67, %eq3A_96 : vector<16xi32>
    %select_n3A_98 = arith.select %eq3A_97, %get3A_94, %select_n3A_91 : vector<16xi1>, vector<16xf32>
    %get3A_99 = arith.constant 1296 : index
    %get3A_100 = tpu.vector_load %arg5[%get3A_99] {strides = array<i32>} : memref<2048xf32, #tpu.memory_space<vmem>>, vector<16xf32>,
    %get3A_101 = vector.shape_cast %get3A_100 : vector<16xf32> to vector<16xf32>
    %eq3A_102 = arith.constant 5 : i32
    %eq3A_103 = vector.broadcast %eq3A_102 : i32 to vector<16xi32>
    %eq3A_104 = arith.cmpi eq, %get3A_67, %eq3A_103 : vector<16xi32>
    %select_n3A_105 = arith.select %eq3A_104, %get3A_101, %select_n3A_98 : vector<16xi1>, vector<16xf32>
    %get3A_106 = arith.constant 1552 : index
    %get3A_107 = tpu.vector_load %arg5[%get3A_106] {strides = array<i32>} : memref<2048xf32, #tpu.memory_space<vmem>>, vector<16xf32>,
    %get3A_108 = vector.shape_cast %get3A_107 : vector<16xf32> to vector<16xf32>
    %eq3A_109 = arith.constant 6 : i32
    %eq3A_110 = vector.broadcast %eq3A_109 : i32 to vector<16xi32>
    %eq3A_111 = arith.cmpi eq, %get3A_67, %eq3A_110 : vector<16xi32>
    %select_n3A_112 = arith.select %eq3A_111, %get3A_108, %select_n3A_105 : vector<16xi1>, vector<16xf32>
    %get3A_113 = arith.constant 1808 : index
    %get3A_114 = tpu.vector_load %arg5[%get3A_113] {strides = array<i32>} : memref<2048xf32, #tpu.memory_space<vmem>>, vector<16xf32>,
    %get3A_115 = vector.shape_cast %get3A_114 : vector<16xf32> to vector<16xf32>
    %eq3A_116 = arith.constant 7 : i32
    %eq3A_117 = vector.broadcast %eq3A_116 : i32 to vector<16xi32>
    %eq3A_118 = arith.cmpi eq, %get3A_67, %eq3A_117 : vector<16xi32>
    %select_n3A_119 = arith.select %eq3A_118, %get3A_115, %select_n3A_112 : vector<16xi1>, vector<16xf32>
    %swap3A_120 = arith.constant 16 : index
    %swap3A_121 = tpu.vector_load %arg7[%swap3A_120] {strides = array<i32>} : memref<256xf32, #tpu.memory_space<vmem>>, vector<16xf32>,
    %swap3A_122 = vector.shape_cast %swap3A_121 : vector<16xf32> to vector<16xf32>
    %swap3A_123 = vector.shape_cast %select_n3A_119 : vector<16xf32> to vector<16xf32>
    tpu.vector_store %arg7[%swap3A_120], %swap3A_123 {strides = array<i32>} : memref<256xf32, #tpu.memory_space<vmem>>, vector<16xf32>,
    %get3A_124 = arith.constant 32 : index
    %get3A_125 = tpu.vector_load %arg6[%get3A_124] {strides = array<i32>} : memref<256xi32, #tpu.memory_space<vmem>>, vector<16xi32>,
    %get3A_126 = vector.shape_cast %get3A_125 : vector<16xi32> to vector<16xi32>
    %get3A_127 = arith.constant 32 : index
    %get3A_128 = tpu.vector_load %arg5[%get3A_127] {strides = array<i32>} : memref<2048xf32, #tpu.memory_space<vmem>>, vector<16xf32>,
    %get3A_129 = vector.shape_cast %get3A_128 : vector<16xf32> to vector<16xf32>
    %get3A_130 = arith.constant 288 : index
    %get3A_131 = tpu.vector_load %arg5[%get3A_130] {strides = array<i32>} : memref<2048xf32, #tpu.memory_space<vmem>>, vector<16xf32>,
    %get3A_132 = vector.shape_cast %get3A_131 : vector<16xf32> to vector<16xf32>
    %eq3A_133 = arith.constant 1 : i32
    %eq3A_134 = vector.broadcast %eq3A_133 : i32 to vector<16xi32>
    %eq3A_135 = arith.cmpi eq, %get3A_126, %eq3A_134 : vector<16xi32>
    %select_n3A_136 = arith.select %eq3A_135, %get3A_132, %get3A_129 : vector<16xi1>, vector<16xf32>
    %get3A_137 = arith.constant 544 : index
    %get3A_138 = tpu.vector_load %arg5[%get3A_137] {strides = array<i32>} : memref<2048xf32, #tpu.memory_space<vmem>>, vector<16xf32>,
    %get3A_139 = vector.shape_cast %get3A_138 : vector<16xf32> to vector<16xf32>
    %eq3A_140 = arith.constant 2 : i32
    %eq3A_141 = vector.broadcast %eq3A_140 : i32 to vector<16xi32>
    %eq3A_142 = arith.cmpi eq, %get3A_126, %eq3A_141 : vector<16xi32>
    %select_n3A_143 = arith.select %eq3A_142, %get3A_139, %select_n3A_136 : vector<16xi1>, vector<16xf32>
    %get3A_144 = arith.constant 800 : index
    %get3A_145 = tpu.vector_load %arg5[%get3A_144] {strides = array<i32>} : memref<2048xf32, #tpu.memory_space<vmem>>, vector<16xf32>,
    %get3A_146 = vector.shape_cast %get3A_145 : vector<16xf32> to vector<16xf32>
    %eq3A_147 = arith.constant 3 : i32
    %eq3A_148 = vector.broadcast %eq3A_147 : i32 to vector<16xi32>
    %eq3A_149 = arith.cmpi eq, %get3A_126, %eq3A_148 : vector<16xi32>
    %select_n3A_150 = arith.select %eq3A_149, %get3A_146, %select_n3A_143 : vector<16xi1>, vector<16xf32>
    %get3A_151 = arith.constant 1056 : index
    %get3A_152 = tpu.vector_load %arg5[%get3A_151] {strides = array<i32>} : memref<2048xf32, #tpu.memory_space<vmem>>, vector<16xf32>,
    %get3A_153 = vector.shape_cast %get3A_152 : vector<16xf32> to vector<16xf32>
    %eq3A_154 = arith.constant 4 : i32
    %eq3A_155 = vector.broadcast %eq3A_154 : i32 to vector<16xi32>
    %eq3A_156 = arith.cmpi eq, %get3A_126, %eq3A_155 : vector<16xi32>
    %select_n3A_157 = arith.select %eq3A_156, %get3A_153, %select_n3A_150 : vector<16xi1>, vector<16xf32>
    %get3A_158 = arith.constant 1312 : index
    %get3A_159 = tpu.vector_load %arg5[%get3A_158] {strides = array<i32>} : memref<2048xf32, #tpu.memory_space<vmem>>, vector<16xf32>,
    %get3A_160 = vector.shape_cast %get3A_159 : vector<16xf32> to vector<16xf32>
    %eq3A_161 = arith.constant 5 : i32
    %eq3A_162 = vector.broadcast %eq3A_161 : i32 to vector<16xi32>
    %eq3A_163 = arith.cmpi eq, %get3A_126, %eq3A_162 : vector<16xi32>
    %select_n3A_164 = arith.select %eq3A_163, %get3A_160, %select_n3A_157 : vector<16xi1>, vector<16xf32>
    %get3A_165 = arith.constant 1568 : index
    %get3A_166 = tpu.vector_load %arg5[%get3A_165] {strides = array<i32>} : memref<2048xf32, #tpu.memory_space<vmem>>, vector<16xf32>,
    %get3A_167 = vector.shape_cast %get3A_166 : vector<16xf32> to vector<16xf32>
    %eq3A_168 = arith.constant 6 : i32
    %eq3A_169 = vector.broadcast %eq3A_168 : i32 to vector<16xi32>
    %eq3A_170 = arith.cmpi eq, %get3A_126, %eq3A_169 : vector<16xi32>
    %select_n3A_171 = arith.select %eq3A_170, %get3A_167, %select_n3A_164 : vector<16xi1>, vector<16xf32>
    %get3A_172 = arith.constant 1824 : index
    %get3A_173 = tpu.vector_load %arg5[%get3A_172] {strides = array<i32>} : memref<2048xf32, #tpu.memory_space<vmem>>, vector<16xf32>,
    %get3A_174 = vector.shape_cast %get3A_173 : vector<16xf32> to vector<16xf32>
    %eq3A_175 = arith.constant 7 : i32
    %eq3A_176 = vector.broadcast %eq3A_175 : i32 to vector<16xi32>
    %eq3A_177 = arith.cmpi eq, %get3A_126, %eq3A_176 : vector<16xi32>
    %select_n3A_178 = arith.select %eq3A_177, %get3A_174, %select_n3A_171 : vector<16xi1>, vector<16xf32>
    %swap3A_179 = arith.constant 32 : index
    %swap3A_180 = tpu.vector_load %arg7[%swap3A_179] {strides = array<i32>} : memref<256xf32, #tpu.memory_space<vmem>>, vector<16xf32>,
    %swap3A_181 = vector.shape_cast %swap3A_180 : vector<16xf32> to vector<16xf32>
    %swap3A_182 = vector.shape_cast %select_n3A_178 : vector<16xf32> to vector<16xf32>
    tpu.vector_store %arg7[%swap3A_179], %swap3A_182 {strides = array<i32>} : memref<256xf32, #tpu.memory_space<vmem>>, vector<16xf32>,
    %get3A_183 = arith.constant 48 : index
    %get3A_184 = tpu.vector_load %arg6[%get3A_183] {strides = array<i32>} : memref<256xi32, #tpu.memory_space<vmem>>, vector<16xi32>,
    %get3A_185 = vector.shape_cast %get3A_184 : vector<16xi32> to vector<16xi32>
    %get3A_186 = arith.constant 48 : index
    %get3A_187 = tpu.vector_load %arg5[%get3A_186] {strides = array<i32>} : memref<2048xf32, #tpu.memory_space<vmem>>, vector<16xf32>,
    %get3A_188 = vector.shape_cast %get3A_187 : vector<16xf32> to vector<16xf32>
    %get3A_189 = arith.constant 304 : index
    %get3A_190 = tpu.vector_load %arg5[%get3A_189] {strides = array<i32>} : memref<2048xf32, #tpu.memory_space<vmem>>, vector<16xf32>,
    %get3A_191 = vector.shape_cast %get3A_190 : vector<16xf32> to vector<16xf32>
    %eq3A_192 = arith.constant 1 : i32
    %eq3A_193 = vector.broadcast %eq3A_192 : i32 to vector<16xi32>
    %eq3A_194 = arith.cmpi eq, %get3A_185, %eq3A_193 : vector<16xi32>
    %select_n3A_195 = arith.select %eq3A_194, %get3A_191, %get3A_188 : vector<16xi1>, vector<16xf32>
    %get3A_196 = arith.constant 560 : index
    %get3A_197 = tpu.vector_load %arg5[%get3A_196] {strides = array<i32>} : memref<2048xf32, #tpu.memory_space<vmem>>, vector<16xf32>,
    %get3A_198 = vector.shape_cast %get3A_197 : vector<16xf32> to vector<16xf32>
    %eq3A_199 = arith.constant 2 : i32
    %eq3A_200 = vector.broadcast %eq3A_199 : i32 to vector<16xi32>
    %eq3A_201 = arith.cmpi eq, %get3A_185, %eq3A_200 : vector<16xi32>
    %select_n3A_202 = arith.select %eq3A_201, %get3A_198, %select_n3A_195 : vector<16xi1>, vector<16xf32>
    %get3A_203 = arith.constant 816 : index
    %get3A_204 = tpu.vector_load %arg5[%get3A_203] {strides = array<i32>} : memref<2048xf32, #tpu.memory_space<vmem>>, vector<16xf32>,
    %get3A_205 = vector.shape_cast %get3A_204 : vector<16xf32> to vector<16xf32>
    %eq3A_206 = arith.constant 3 : i32
    %eq3A_207 = vector.broadcast %eq3A_206 : i32 to vector<16xi32>
    %eq3A_208 = arith.cmpi eq, %get3A_185, %eq3A_207 : vector<16xi32>
    %select_n3A_209 = arith.select %eq3A_208, %get3A_205, %select_n3A_202 : vector<16xi1>, vector<16xf32>
    %get3A_210 = arith.constant 1072 : index
    %get3A_211 = tpu.vector_load %arg5[%get3A_210] {strides = array<i32>} : memref<2048xf32, #tpu.memory_space<vmem>>, vector<16xf32>,
    %get3A_212 = vector.shape_cast %get3A_211 : vector<16xf32> to vector<16xf32>
    %eq3A_213 = arith.constant 4 : i32
    %eq3A_214 = vector.broadcast %eq3A_213 : i32 to vector<16xi32>
    %eq3A_215 = arith.cmpi eq, %get3A_185, %eq3A_214 : vector<16xi32>
    %select_n3A_216 = arith.select %eq3A_215, %get3A_212, %select_n3A_209 : vector<16xi1>, vector<16xf32>
    %get3A_217 = arith.constant 1328 : index
    %get3A_218 = tpu.vector_load %arg5[%get3A_217] {strides = array<i32>} : memref<2048xf32, #tpu.memory_space<vmem>>, vector<16xf32>,
    %get3A_219 = vector.shape_cast %get3A_218 : vector<16xf32> to vector<16xf32>
    %eq3A_220 = arith.constant 5 : i32
    %eq3A_221 = vector.broadcast %eq3A_220 : i32 to vector<16xi32>
    %eq3A_222 = arith.cmpi eq, %get3A_185, %eq3A_221 : vector<16xi32>
    %select_n3A_223 = arith.select %eq3A_222, %get3A_219, %select_n3A_216 : vector<16xi1>, vector<16xf32>
    %get3A_224 = arith.constant 1584 : index
    %get3A_225 = tpu.vector_load %arg5[%get3A_224] {strides = array<i32>} : memref<2048xf32, #tpu.memory_space<vmem>>, vector<16xf32>,
    %get3A_226 = vector.shape_cast %get3A_225 : vector<16xf32> to vector<16xf32>
    %eq3A_227 = arith.constant 6 : i32
    %eq3A_228 = vector.broadcast %eq3A_227 : i32 to vector<16xi32>
    %eq3A_229 = arith.cmpi eq, %get3A_185, %eq3A_228 : vector<16xi32>
    %select_n3A_230 = arith.select %eq3A_229, %get3A_226, %select_n3A_223 : vector<16xi1>, vector<16xf32>
    %get3A_231 = arith.constant 1840 : index
    %get3A_232 = tpu.vector_load %arg5[%get3A_231] {strides = array<i32>} : memref<2048xf32, #tpu.memory_space<vmem>>, vector<16xf32>,
    %get3A_233 = vector.shape_cast %get3A_232 : vector<16xf32> to vector<16xf32>
    %eq3A_234 = arith.constant 7 : i32
    %eq3A_235 = vector.broadcast %eq3A_234 : i32 to vector<16xi32>
    %eq3A_236 = arith.cmpi eq, %get3A_185, %eq3A_235 : vector<16xi32>
    %select_n3A_237 = arith.select %eq3A_236, %get3A_233, %select_n3A_230 : vector<16xi1>, vector<16xf32>
    %swap3A_238 = arith.constant 48 : index
    %swap3A_239 = tpu.vector_load %arg7[%swap3A_238] {strides = array<i32>} : memref<256xf32, #tpu.memory_space<vmem>>, vector<16xf32>,
    %swap3A_240 = vector.shape_cast %swap3A_239 : vector<16xf32> to vector<16xf32>
    %swap3A_241 = vector.shape_cast %select_n3A_237 : vector<16xf32> to vector<16xf32>
    tpu.vector_store %arg7[%swap3A_238], %swap3A_241 {strides = array<i32>} : memref<256xf32, #tpu.memory_space<vmem>>, vector<16xf32>,
    %get3A_242 = arith.constant 64 : index
    %get3A_243 = tpu.vector_load %arg6[%get3A_242] {strides = array<i32>} : memref<256xi32, #tpu.memory_space<vmem>>, vector<16xi32>,
    %get3A_244 = vector.shape_cast %get3A_243 : vector<16xi32> to vector<16xi32>
    %get3A_245 = arith.constant 64 : index
    %get3A_246 = tpu.vector_load %arg5[%get3A_245] {strides = array<i32>} : memref<2048xf32, #tpu.memory_space<vmem>>, vector<16xf32>,
    %get3A_247 = vector.shape_cast %get3A_246 : vector<16xf32> to vector<16xf32>
    %get3A_248 = arith.constant 320 : index
    %get3A_249 = tpu.vector_load %arg5[%get3A_248] {strides = array<i32>} : memref<2048xf32, #tpu.memory_space<vmem>>, vector<16xf32>,
    %get3A_250 = vector.shape_cast %get3A_249 : vector<16xf32> to vector<16xf32>
    %eq3A_251 = arith.constant 1 : i32
    %eq3A_252 = vector.broadcast %eq3A_251 : i32 to vector<16xi32>
    %eq3A_253 = arith.cmpi eq, %get3A_244, %eq3A_252 : vector<16xi32>
    %select_n3A_254 = arith.select %eq3A_253, %get3A_250, %get3A_247 : vector<16xi1>, vector<16xf32>
    %get3A_255 = arith.constant 576 : index
    %get3A_256 = tpu.vector_load %arg5[%get3A_255] {strides = array<i32>} : memref<2048xf32, #tpu.memory_space<vmem>>, vector<16xf32>,
    %get3A_257 = vector.shape_cast %get3A_256 : vector<16xf32> to vector<16xf32>
    %eq3A_258 = arith.constant 2 : i32
    %eq3A_259 = vector.broadcast %eq3A_258 : i32 to vector<16xi32>
    %eq3A_260 = arith.cmpi eq, %get3A_244, %eq3A_259 : vector<16xi32>
    %select_n3A_261 = arith.select %eq3A_260, %get3A_257, %select_n3A_254 : vector<16xi1>, vector<16xf32>
    %get3A_262 = arith.constant 832 : index
    %get3A_263 = tpu.vector_load %arg5[%get3A_262] {strides = array<i32>} : memref<2048xf32, #tpu.memory_space<vmem>>, vector<16xf32>,
    %get3A_264 = vector.shape_cast %get3A_263 : vector<16xf32> to vector<16xf32>
    %eq3A_265 = arith.constant 3 : i32
    %eq3A_266 = vector.broadcast %eq3A_265 : i32 to vector<16xi32>
    %eq3A_267 = arith.cmpi eq, %get3A_244, %eq3A_266 : vector<16xi32>
    %select_n3A_268 = arith.select %eq3A_267, %get3A_264, %select_n3A_261 : vector<16xi1>, vector<16xf32>
    %get3A_269 = arith.constant 1088 : index
    %get3A_270 = tpu.vector_load %arg5[%get3A_269] {strides = array<i32>} : memref<2048xf32, #tpu.memory_space<vmem>>, vector<16xf32>,
    %get3A_271 = vector.shape_cast %get3A_270 : vector<16xf32> to vector<16xf32>
    %eq3A_272 = arith.constant 4 : i32
    %eq3A_273 = vector.broadcast %eq3A_272 : i32 to vector<16xi32>
    %eq3A_274 = arith.cmpi eq, %get3A_244, %eq3A_273 : vector<16xi32>
    %select_n3A_275 = arith.select %eq3A_274, %get3A_271, %select_n3A_268 : vector<16xi1>, vector<16xf32>
    %get3A_276 = arith.constant 1344 : index
    %get3A_277 = tpu.vector_load %arg5[%get3A_276] {strides = array<i32>} : memref<2048xf32, #tpu.memory_space<vmem>>, vector<16xf32>,
    %get3A_278 = vector.shape_cast %get3A_277 : vector<16xf32> to vector<16xf32>
    %eq3A_279 = arith.constant 5 : i32
    %eq3A_280 = vector.broadcast %eq3A_279 : i32 to vector<16xi32>
    %eq3A_281 = arith.cmpi eq, %get3A_244, %eq3A_280 : vector<16xi32>
    %select_n3A_282 = arith.select %eq3A_281, %get3A_278, %select_n3A_275 : vector<16xi1>, vector<16xf32>
    %get3A_283 = arith.constant 1600 : index
    %get3A_284 = tpu.vector_load %arg5[%get3A_283] {strides = array<i32>} : memref<2048xf32, #tpu.memory_space<vmem>>, vector<16xf32>,
    %get3A_285 = vector.shape_cast %get3A_284 : vector<16xf32> to vector<16xf32>
    %eq3A_286 = arith.constant 6 : i32
    %eq3A_287 = vector.broadcast %eq3A_286 : i32 to vector<16xi32>
    %eq3A_288 = arith.cmpi eq, %get3A_244, %eq3A_287 : vector<16xi32>
    %select_n3A_289 = arith.select %eq3A_288, %get3A_285, %select_n3A_282 : vector<16xi1>, vector<16xf32>
    %get3A_290 = arith.constant 1856 : index
    %get3A_291 = tpu.vector_load %arg5[%get3A_290] {strides = array<i32>} : memref<2048xf32, #tpu.memory_space<vmem>>, vector<16xf32>,
    %get3A_292 = vector.shape_cast %get3A_291 : vector<16xf32> to vector<16xf32>
    %eq3A_293 = arith.constant 7 : i32
    %eq3A_294 = vector.broadcast %eq3A_293 : i32 to vector<16xi32>
    %eq3A_295 = arith.cmpi eq, %get3A_244, %eq3A_294 : vector<16xi32>
    %select_n3A_296 = arith.select %eq3A_295, %get3A_292, %select_n3A_289 : vector<16xi1>, vector<16xf32>
    %swap3A_297 = arith.constant 64 : index
    %swap3A_298 = tpu.vector_load %arg7[%swap3A_297] {strides = array<i32>} : memref<256xf32, #tpu.memory_space<vmem>>, vector<16xf32>,
    %swap3A_299 = vector.shape_cast %swap3A_298 : vector<16xf32> to vector<16xf32>
    %swap3A_300 = vector.shape_cast %select_n3A_296 : vector<16xf32> to vector<16xf32>
    tpu.vector_store %arg7[%swap3A_297], %swap3A_300 {strides = array<i32>} : memref<256xf32, #tpu.memory_space<vmem>>, vector<16xf32>,
    %get3A_301 = arith.constant 80 : index
    %get3A_302 = tpu.vector_load %arg6[%get3A_301] {strides = array<i32>} : memref<256xi32, #tpu.memory_space<vmem>>, vector<16xi32>,
    %get3A_303 = vector.shape_cast %get3A_302 : vector<16xi32> to vector<16xi32>
    %get3A_304 = arith.constant 80 : index
    %get3A_305 = tpu.vector_load %arg5[%get3A_304] {strides = array<i32>} : memref<2048xf32, #tpu.memory_space<vmem>>, vector<16xf32>,
    %get3A_306 = vector.shape_cast %get3A_305 : vector<16xf32> to vector<16xf32>
    %get3A_307 = arith.constant 336 : index
    %get3A_308 = tpu.vector_load %arg5[%get3A_307] {strides = array<i32>} : memref<2048xf32, #tpu.memory_space<vmem>>, vector<16xf32>,
    %get3A_309 = vector.shape_cast %get3A_308 : vector<16xf32> to vector<16xf32>
    %eq3A_310 = arith.constant 1 : i32
    %eq3A_311 = vector.broadcast %eq3A_310 : i32 to vector<16xi32>
    %eq3A_312 = arith.cmpi eq, %get3A_303, %eq3A_311 : vector<16xi32>
    %select_n3A_313 = arith.select %eq3A_312, %get3A_309, %get3A_306 : vector<16xi1>, vector<16xf32>
    %get3A_314 = arith.constant 592 : index
    %get3A_315 = tpu.vector_load %arg5[%get3A_314] {strides = array<i32>} : memref<2048xf32, #tpu.memory_space<vmem>>, vector<16xf32>,
    %get3A_316 = vector.shape_cast %get3A_315 : vector<16xf32> to vector<16xf32>
    %eq3A_317 = arith.constant 2 : i32
    %eq3A_318 = vector.broadcast %eq3A_317 : i32 to vector<16xi32>
    %eq3A_319 = arith.cmpi eq, %get3A_303, %eq3A_318 : vector<16xi32>
    %select_n3A_320 = arith.select %eq3A_319, %get3A_316, %select_n3A_313 : vector<16xi1>, vector<16xf32>
    %get3A_321 = arith.constant 848 : index
    %get3A_322 = tpu.vector_load %arg5[%get3A_321] {strides = array<i32>} : memref<2048xf32, #tpu.memory_space<vmem>>, vector<16xf32>,
    %get3A_323 = vector.shape_cast %get3A_322 : vector<16xf32> to vector<16xf32>
    %eq3A_324 = arith.constant 3 : i32
    %eq3A_325 = vector.broadcast %eq3A_324 : i32 to vector<16xi32>
    %eq3A_326 = arith.cmpi eq, %get3A_303, %eq3A_325 : vector<16xi32>
    %select_n3A_327 = arith.select %eq3A_326, %get3A_323, %select_n3A_320 : vector<16xi1>, vector<16xf32>
    %get3A_328 = arith.constant 1104 : index
    %get3A_329 = tpu.vector_load %arg5[%get3A_328] {strides = array<i32>} : memref<2048xf32, #tpu.memory_space<vmem>>, vector<16xf32>,
    %get3A_330 = vector.shape_cast %get3A_329 : vector<16xf32> to vector<16xf32>
    %eq3A_331 = arith.constant 4 : i32
    %eq3A_332 = vector.broadcast %eq3A_331 : i32 to vector<16xi32>
    %eq3A_333 = arith.cmpi eq, %get3A_303, %eq3A_332 : vector<16xi32>
    %select_n3A_334 = arith.select %eq3A_333, %get3A_330, %select_n3A_327 : vector<16xi1>, vector<16xf32>
    %get3A_335 = arith.constant 1360 : index
    %get3A_336 = tpu.vector_load %arg5[%get3A_335] {strides = array<i32>} : memref<2048xf32, #tpu.memory_space<vmem>>, vector<16xf32>,
    %get3A_337 = vector.shape_cast %get3A_336 : vector<16xf32> to vector<16xf32>
    %eq3A_338 = arith.constant 5 : i32
    %eq3A_339 = vector.broadcast %eq3A_338 : i32 to vector<16xi32>
    %eq3A_340 = arith.cmpi eq, %get3A_303, %eq3A_339 : vector<16xi32>
    %select_n3A_341 = arith.select %eq3A_340, %get3A_337, %select_n3A_334 : vector<16xi1>, vector<16xf32>
    %get3A_342 = arith.constant 1616 : index
    %get3A_343 = tpu.vector_load %arg5[%get3A_342] {strides = array<i32>} : memref<2048xf32, #tpu.memory_space<vmem>>, vector<16xf32>,
    %get3A_344 = vector.shape_cast %get3A_343 : vector<16xf32> to vector<16xf32>
    %eq3A_345 = arith.constant 6 : i32
    %eq3A_346 = vector.broadcast %eq3A_345 : i32 to vector<16xi32>
    %eq3A_347 = arith.cmpi eq, %get3A_303, %eq3A_346 : vector<16xi32>
    %select_n3A_348 = arith.select %eq3A_347, %get3A_344, %select_n3A_341 : vector<16xi1>, vector<16xf32>
    %get3A_349 = arith.constant 1872 : index
    %get3A_350 = tpu.vector_load %arg5[%get3A_349] {strides = array<i32>} : memref<2048xf32, #tpu.memory_space<vmem>>, vector<16xf32>,
    %get3A_351 = vector.shape_cast %get3A_350 : vector<16xf32> to vector<16xf32>
    %eq3A_352 = arith.constant 7 : i32
    %eq3A_353 = vector.broadcast %eq3A_352 : i32 to vector<16xi32>
    %eq3A_354 = arith.cmpi eq, %get3A_303, %eq3A_353 : vector<16xi32>
    %select_n3A_355 = arith.select %eq3A_354, %get3A_351, %select_n3A_348 : vector<16xi1>, vector<16xf32>
    %swap3A_356 = arith.constant 80 : index
    %swap3A_357 = tpu.vector_load %arg7[%swap3A_356] {strides = array<i32>} : memref<256xf32, #tpu.memory_space<vmem>>, vector<16xf32>,
    %swap3A_358 = vector.shape_cast %swap3A_357 : vector<16xf32> to vector<16xf32>
    %swap3A_359 = vector.shape_cast %select_n3A_355 : vector<16xf32> to vector<16xf32>
    tpu.vector_store %arg7[%swap3A_356], %swap3A_359 {strides = array<i32>} : memref<256xf32, #tpu.memory_space<vmem>>, vector<16xf32>,
    %get3A_360 = arith.constant 96 : index
    %get3A_361 = tpu.vector_load %arg6[%get3A_360] {strides = array<i32>} : memref<256xi32, #tpu.memory_space<vmem>>, vector<16xi32>,
    %get3A_362 = vector.shape_cast %get3A_361 : vector<16xi32> to vector<16xi32>
    %get3A_363 = arith.constant 96 : index
    %get3A_364 = tpu.vector_load %arg5[%get3A_363] {strides = array<i32>} : memref<2048xf32, #tpu.memory_space<vmem>>, vector<16xf32>,
    %get3A_365 = vector.shape_cast %get3A_364 : vector<16xf32> to vector<16xf32>
    %get3A_366 = arith.constant 352 : index
    %get3A_367 = tpu.vector_load %arg5[%get3A_366] {strides = array<i32>} : memref<2048xf32, #tpu.memory_space<vmem>>, vector<16xf32>,
    %get3A_368 = vector.shape_cast %get3A_367 : vector<16xf32> to vector<16xf32>
    %eq3A_369 = arith.constant 1 : i32
    %eq3A_370 = vector.broadcast %eq3A_369 : i32 to vector<16xi32>
    %eq3A_371 = arith.cmpi eq, %get3A_362, %eq3A_370 : vector<16xi32>
    %select_n3A_372 = arith.select %eq3A_371, %get3A_368, %get3A_365 : vector<16xi1>, vector<16xf32>
    %get3A_373 = arith.constant 608 : index
    %get3A_374 = tpu.vector_load %arg5[%get3A_373] {strides = array<i32>} : memref<2048xf32, #tpu.memory_space<vmem>>, vector<16xf32>,
    %get3A_375 = vector.shape_cast %get3A_374 : vector<16xf32> to vector<16xf32>
    %eq3A_376 = arith.constant 2 : i32
    %eq3A_377 = vector.broadcast %eq3A_376 : i32 to vector<16xi32>
    %eq3A_378 = arith.cmpi eq, %get3A_362, %eq3A_377 : vector<16xi32>
    %select_n3A_379 = arith.select %eq3A_378, %get3A_375, %select_n3A_372 : vector<16xi1>, vector<16xf32>
    %get3A_380 = arith.constant 864 : index
    %get3A_381 = tpu.vector_load %arg5[%get3A_380] {strides = array<i32>} : memref<2048xf32, #tpu.memory_space<vmem>>, vector<16xf32>,
    %get3A_382 = vector.shape_cast %get3A_381 : vector<16xf32> to vector<16xf32>
    %eq3A_383 = arith.constant 3 : i32
    %eq3A_384 = vector.broadcast %eq3A_383 : i32 to vector<16xi32>
    %eq3A_385 = arith.cmpi eq, %get3A_362, %eq3A_384 : vector<16xi32>
    %select_n3A_386 = arith.select %eq3A_385, %get3A_382, %select_n3A_379 : vector<16xi1>, vector<16xf32>
    %get3A_387 = arith.constant 1120 : index
    %get3A_388 = tpu.vector_load %arg5[%get3A_387] {strides = array<i32>} : memref<2048xf32, #tpu.memory_space<vmem>>, vector<16xf32>,
    %get3A_389 = vector.shape_cast %get3A_388 : vector<16xf32> to vector<16xf32>
    %eq3A_390 = arith.constant 4 : i32
    %eq3A_391 = vector.broadcast %eq3A_390 : i32 to vector<16xi32>
    %eq3A_392 = arith.cmpi eq, %get3A_362, %eq3A_391 : vector<16xi32>
    %select_n3A_393 = arith.select %eq3A_392, %get3A_389, %select_n3A_386 : vector<16xi1>, vector<16xf32>
    %get3A_394 = arith.constant 1376 : index
    %get3A_395 = tpu.vector_load %arg5[%get3A_394] {strides = array<i32>} : memref<2048xf32, #tpu.memory_space<vmem>>, vector<16xf32>,
    %get3A_396 = vector.shape_cast %get3A_395 : vector<16xf32> to vector<16xf32>
    %eq3A_397 = arith.constant 5 : i32
    %eq3A_398 = vector.broadcast %eq3A_397 : i32 to vector<16xi32>
    %eq3A_399 = arith.cmpi eq, %get3A_362, %eq3A_398 : vector<16xi32>
    %select_n3A_400 = arith.select %eq3A_399, %get3A_396, %select_n3A_393 : vector<16xi1>, vector<16xf32>
    %get3A_401 = arith.constant 1632 : index
    %get3A_402 = tpu.vector_load %arg5[%get3A_401] {strides = array<i32>} : memref<2048xf32, #tpu.memory_space<vmem>>, vector<16xf32>,
    %get3A_403 = vector.shape_cast %get3A_402 : vector<16xf32> to vector<16xf32>
    %eq3A_404 = arith.constant 6 : i32
    %eq3A_405 = vector.broadcast %eq3A_404 : i32 to vector<16xi32>
    %eq3A_406 = arith.cmpi eq, %get3A_362, %eq3A_405 : vector<16xi32>
    %select_n3A_407 = arith.select %eq3A_406, %get3A_403, %select_n3A_400 : vector<16xi1>, vector<16xf32>
    %get3A_408 = arith.constant 1888 : index
    %get3A_409 = tpu.vector_load %arg5[%get3A_408] {strides = array<i32>} : memref<2048xf32, #tpu.memory_space<vmem>>, vector<16xf32>,
    %get3A_410 = vector.shape_cast %get3A_409 : vector<16xf32> to vector<16xf32>
    %eq3A_411 = arith.constant 7 : i32
    %eq3A_412 = vector.broadcast %eq3A_411 : i32 to vector<16xi32>
    %eq3A_413 = arith.cmpi eq, %get3A_362, %eq3A_412 : vector<16xi32>
    %select_n3A_414 = arith.select %eq3A_413, %get3A_410, %select_n3A_407 : vector<16xi1>, vector<16xf32>
    %swap3A_415 = arith.constant 96 : index
    %swap3A_416 = tpu.vector_load %arg7[%swap3A_415] {strides = array<i32>} : memref<256xf32, #tpu.memory_space<vmem>>, vector<16xf32>,
    %swap3A_417 = vector.shape_cast %swap3A_416 : vector<16xf32> to vector<16xf32>
    %swap3A_418 = vector.shape_cast %select_n3A_414 : vector<16xf32> to vector<16xf32>
    tpu.vector_store %arg7[%swap3A_415], %swap3A_418 {strides = array<i32>} : memref<256xf32, #tpu.memory_space<vmem>>, vector<16xf32>,
    %get3A_419 = arith.constant 112 : index
    %get3A_420 = tpu.vector_load %arg6[%get3A_419] {strides = array<i32>} : memref<256xi32, #tpu.memory_space<vmem>>, vector<16xi32>,
    %get3A_421 = vector.shape_cast %get3A_420 : vector<16xi32> to vector<16xi32>
    %get3A_422 = arith.constant 112 : index
    %get3A_423 = tpu.vector_load %arg5[%get3A_422] {strides = array<i32>} : memref<2048xf32, #tpu.memory_space<vmem>>, vector<16xf32>,
    %get3A_424 = vector.shape_cast %get3A_423 : vector<16xf32> to vector<16xf32>
    %get3A_425 = arith.constant 368 : index
    %get3A_426 = tpu.vector_load %arg5[%get3A_425] {strides = array<i32>} : memref<2048xf32, #tpu.memory_space<vmem>>, vector<16xf32>,
    %get3A_427 = vector.shape_cast %get3A_426 : vector<16xf32> to vector<16xf32>
    %eq3A_428 = arith.constant 1 : i32
    %eq3A_429 = vector.broadcast %eq3A_428 : i32 to vector<16xi32>
    %eq3A_430 = arith.cmpi eq, %get3A_421, %eq3A_429 : vector<16xi32>
    %select_n3A_431 = arith.select %eq3A_430, %get3A_427, %get3A_424 : vector<16xi1>, vector<16xf32>
    %get3A_432 = arith.constant 624 : index
    %get3A_433 = tpu.vector_load %arg5[%get3A_432] {strides = array<i32>} : memref<2048xf32, #tpu.memory_space<vmem>>, vector<16xf32>,
    %get3A_434 = vector.shape_cast %get3A_433 : vector<16xf32> to vector<16xf32>
    %eq3A_435 = arith.constant 2 : i32
    %eq3A_436 = vector.broadcast %eq3A_435 : i32 to vector<16xi32>
    %eq3A_437 = arith.cmpi eq, %get3A_421, %eq3A_436 : vector<16xi32>
    %select_n3A_438 = arith.select %eq3A_437, %get3A_434, %select_n3A_431 : vector<16xi1>, vector<16xf32>
    %get3A_439 = arith.constant 880 : index
    %get3A_440 = tpu.vector_load %arg5[%get3A_439] {strides = array<i32>} : memref<2048xf32, #tpu.memory_space<vmem>>, vector<16xf32>,
    %get3A_441 = vector.shape_cast %get3A_440 : vector<16xf32> to vector<16xf32>
    %eq3A_442 = arith.constant 3 : i32
    %eq3A_443 = vector.broadcast %eq3A_442 : i32 to vector<16xi32>
    %eq3A_444 = arith.cmpi eq, %get3A_421, %eq3A_443 : vector<16xi32>
    %select_n3A_445 = arith.select %eq3A_444, %get3A_441, %select_n3A_438 : vector<16xi1>, vector<16xf32>
    %get3A_446 = arith.constant 1136 : index
    %get3A_447 = tpu.vector_load %arg5[%get3A_446] {strides = array<i32>} : memref<2048xf32, #tpu.memory_space<vmem>>, vector<16xf32>,
    %get3A_448 = vector.shape_cast %get3A_447 : vector<16xf32> to vector<16xf32>
    %eq3A_449 = arith.constant 4 : i32
    %eq3A_450 = vector.broadcast %eq3A_449 : i32 to vector<16xi32>
    %eq3A_451 = arith.cmpi eq, %get3A_421, %eq3A_450 : vector<16xi32>
    %select_n3A_452 = arith.select %eq3A_451, %get3A_448, %select_n3A_445 : vector<16xi1>, vector<16xf32>
    %get3A_453 = arith.constant 1392 : index
    %get3A_454 = tpu.vector_load %arg5[%get3A_453] {strides = array<i32>} : memref<2048xf32, #tpu.memory_space<vmem>>, vector<16xf32>,
    %get3A_455 = vector.shape_cast %get3A_454 : vector<16xf32> to vector<16xf32>
    %eq3A_456 = arith.constant 5 : i32
    %eq3A_457 = vector.broadcast %eq3A_456 : i32 to vector<16xi32>
    %eq3A_458 = arith.cmpi eq, %get3A_421, %eq3A_457 : vector<16xi32>
    %select_n3A_459 = arith.select %eq3A_458, %get3A_455, %select_n3A_452 : vector<16xi1>, vector<16xf32>
    %get3A_460 = arith.constant 1648 : index
    %get3A_461 = tpu.vector_load %arg5[%get3A_460] {strides = array<i32>} : memref<2048xf32, #tpu.memory_space<vmem>>, vector<16xf32>,
    %get3A_462 = vector.shape_cast %get3A_461 : vector<16xf32> to vector<16xf32>
    %eq3A_463 = arith.constant 6 : i32
    %eq3A_464 = vector.broadcast %eq3A_463 : i32 to vector<16xi32>
    %eq3A_465 = arith.cmpi eq, %get3A_421, %eq3A_464 : vector<16xi32>
    %select_n3A_466 = arith.select %eq3A_465, %get3A_462, %select_n3A_459 : vector<16xi1>, vector<16xf32>
    %get3A_467 = arith.constant 1904 : index
    %get3A_468 = tpu.vector_load %arg5[%get3A_467] {strides = array<i32>} : memref<2048xf32, #tpu.memory_space<vmem>>, vector<16xf32>,
    %get3A_469 = vector.shape_cast %get3A_468 : vector<16xf32> to vector<16xf32>
    %eq3A_470 = arith.constant 7 : i32
    %eq3A_471 = vector.broadcast %eq3A_470 : i32 to vector<16xi32>
    %eq3A_472 = arith.cmpi eq, %get3A_421, %eq3A_471 : vector<16xi32>
    %select_n3A_473 = arith.select %eq3A_472, %get3A_469, %select_n3A_466 : vector<16xi1>, vector<16xf32>
    %swap3A_474 = arith.constant 112 : index
    %swap3A_475 = tpu.vector_load %arg7[%swap3A_474] {strides = array<i32>} : memref<256xf32, #tpu.memory_space<vmem>>, vector<16xf32>,
    %swap3A_476 = vector.shape_cast %swap3A_475 : vector<16xf32> to vector<16xf32>
    %swap3A_477 = vector.shape_cast %select_n3A_473 : vector<16xf32> to vector<16xf32>
    tpu.vector_store %arg7[%swap3A_474], %swap3A_477 {strides = array<i32>} : memref<256xf32, #tpu.memory_space<vmem>>, vector<16xf32>,
    %get3A_478 = arith.constant 128 : index
    %get3A_479 = tpu.vector_load %arg6[%get3A_478] {strides = array<i32>} : memref<256xi32, #tpu.memory_space<vmem>>, vector<16xi32>,
    %get3A_480 = vector.shape_cast %get3A_479 : vector<16xi32> to vector<16xi32>
    %get3A_481 = arith.constant 128 : index
    %get3A_482 = tpu.vector_load %arg5[%get3A_481] {strides = array<i32>} : memref<2048xf32, #tpu.memory_space<vmem>>, vector<16xf32>,
    %get3A_483 = vector.shape_cast %get3A_482 : vector<16xf32> to vector<16xf32>
    %get3A_484 = arith.constant 384 : index
    %get3A_485 = tpu.vector_load %arg5[%get3A_484] {strides = array<i32>} : memref<2048xf32, #tpu.memory_space<vmem>>, vector<16xf32>,
    %get3A_486 = vector.shape_cast %get3A_485 : vector<16xf32> to vector<16xf32>
    %eq3A_487 = arith.constant 1 : i32
    %eq3A_488 = vector.broadcast %eq3A_487 : i32 to vector<16xi32>
    %eq3A_489 = arith.cmpi eq, %get3A_480, %eq3A_488 : vector<16xi32>
    %select_n3A_490 = arith.select %eq3A_489, %get3A_486, %get3A_483 : vector<16xi1>, vector<16xf32>
    %get3A_491 = arith.constant 640 : index
    %get3A_492 = tpu.vector_load %arg5[%get3A_491] {strides = array<i32>} : memref<2048xf32, #tpu.memory_space<vmem>>, vector<16xf32>,
    %get3A_493 = vector.shape_cast %get3A_492 : vector<16xf32> to vector<16xf32>
    %eq3A_494 = arith.constant 2 : i32
    %eq3A_495 = vector.broadcast %eq3A_494 : i32 to vector<16xi32>
    %eq3A_496 = arith.cmpi eq, %get3A_480, %eq3A_495 : vector<16xi32>
    %select_n3A_497 = arith.select %eq3A_496, %get3A_493, %select_n3A_490 : vector<16xi1>, vector<16xf32>
    %get3A_498 = arith.constant 896 : index
    %get3A_499 = tpu.vector_load %arg5[%get3A_498] {strides = array<i32>} : memref<2048xf32, #tpu.memory_space<vmem>>, vector<16xf32>,
    %get3A_500 = vector.shape_cast %get3A_499 : vector<16xf32> to vector<16xf32>
    %eq3A_501 = arith.constant 3 : i32
    %eq3A_502 = vector.broadcast %eq3A_501 : i32 to vector<16xi32>
    %eq3A_503 = arith.cmpi eq, %get3A_480, %eq3A_502 : vector<16xi32>
    %select_n3A_504 = arith.select %eq3A_503, %get3A_500, %select_n3A_497 : vector<16xi1>, vector<16xf32>
    %get3A_505 = arith.constant 1152 : index
    %get3A_506 = tpu.vector_load %arg5[%get3A_505] {strides = array<i32>} : memref<2048xf32, #tpu.memory_space<vmem>>, vector<16xf32>,
    %get3A_507 = vector.shape_cast %get3A_506 : vector<16xf32> to vector<16xf32>
    %eq3A_508 = arith.constant 4 : i32
    %eq3A_509 = vector.broadcast %eq3A_508 : i32 to vector<16xi32>
    %eq3A_510 = arith.cmpi eq, %get3A_480, %eq3A_509 : vector<16xi32>
    %select_n3A_511 = arith.select %eq3A_510, %get3A_507, %select_n3A_504 : vector<16xi1>, vector<16xf32>
    %get3A_512 = arith.constant 1408 : index
    %get3A_513 = tpu.vector_load %arg5[%get3A_512] {strides = array<i32>} : memref<2048xf32, #tpu.memory_space<vmem>>, vector<16xf32>,
    %get3A_514 = vector.shape_cast %get3A_513 : vector<16xf32> to vector<16xf32>
    %eq3A_515 = arith.constant 5 : i32
    %eq3A_516 = vector.broadcast %eq3A_515 : i32 to vector<16xi32>
    %eq3A_517 = arith.cmpi eq, %get3A_480, %eq3A_516 : vector<16xi32>
    %select_n3A_518 = arith.select %eq3A_517, %get3A_514, %select_n3A_511 : vector<16xi1>, vector<16xf32>
    %get3A_519 = arith.constant 1664 : index
    %get3A_520 = tpu.vector_load %arg5[%get3A_519] {strides = array<i32>} : memref<2048xf32, #tpu.memory_space<vmem>>, vector<16xf32>,
    %get3A_521 = vector.shape_cast %get3A_520 : vector<16xf32> to vector<16xf32>
    %eq3A_522 = arith.constant 6 : i32
    %eq3A_523 = vector.broadcast %eq3A_522 : i32 to vector<16xi32>
    %eq3A_524 = arith.cmpi eq, %get3A_480, %eq3A_523 : vector<16xi32>
    %select_n3A_525 = arith.select %eq3A_524, %get3A_521, %select_n3A_518 : vector<16xi1>, vector<16xf32>
    %get3A_526 = arith.constant 1920 : index
    %get3A_527 = tpu.vector_load %arg5[%get3A_526] {strides = array<i32>} : memref<2048xf32, #tpu.memory_space<vmem>>, vector<16xf32>,
    %get3A_528 = vector.shape_cast %get3A_527 : vector<16xf32> to vector<16xf32>
    %eq3A_529 = arith.constant 7 : i32
    %eq3A_530 = vector.broadcast %eq3A_529 : i32 to vector<16xi32>
    %eq3A_531 = arith.cmpi eq, %get3A_480, %eq3A_530 : vector<16xi32>
    %select_n3A_532 = arith.select %eq3A_531, %get3A_528, %select_n3A_525 : vector<16xi1>, vector<16xf32>
    %swap3A_533 = arith.constant 128 : index
    %swap3A_534 = tpu.vector_load %arg7[%swap3A_533] {strides = array<i32>} : memref<256xf32, #tpu.memory_space<vmem>>, vector<16xf32>,
    %swap3A_535 = vector.shape_cast %swap3A_534 : vector<16xf32> to vector<16xf32>
    %swap3A_536 = vector.shape_cast %select_n3A_532 : vector<16xf32> to vector<16xf32>
    tpu.vector_store %arg7[%swap3A_533], %swap3A_536 {strides = array<i32>} : memref<256xf32, #tpu.memory_space<vmem>>, vector<16xf32>,
    %get3A_537 = arith.constant 144 : index
    %get3A_538 = tpu.vector_load %arg6[%get3A_537] {strides = array<i32>} : memref<256xi32, #tpu.memory_space<vmem>>, vector<16xi32>,
    %get3A_539 = vector.shape_cast %get3A_538 : vector<16xi32> to vector<16xi32>
    %get3A_540 = arith.constant 144 : index
    %get3A_541 = tpu.vector_load %arg5[%get3A_540] {strides = array<i32>} : memref<2048xf32, #tpu.memory_space<vmem>>, vector<16xf32>,
    %get3A_542 = vector.shape_cast %get3A_541 : vector<16xf32> to vector<16xf32>
    %get3A_543 = arith.constant 400 : index
    %get3A_544 = tpu.vector_load %arg5[%get3A_543] {strides = array<i32>} : memref<2048xf32, #tpu.memory_space<vmem>>, vector<16xf32>,
    %get3A_545 = vector.shape_cast %get3A_544 : vector<16xf32> to vector<16xf32>
    %eq3A_546 = arith.constant 1 : i32
    %eq3A_547 = vector.broadcast %eq3A_546 : i32 to vector<16xi32>
    %eq3A_548 = arith.cmpi eq, %get3A_539, %eq3A_547 : vector<16xi32>
    %select_n3A_549 = arith.select %eq3A_548, %get3A_545, %get3A_542 : vector<16xi1>, vector<16xf32>
    %get3A_550 = arith.constant 656 : index
    %get3A_551 = tpu.vector_load %arg5[%get3A_550] {strides = array<i32>} : memref<2048xf32, #tpu.memory_space<vmem>>, vector<16xf32>,
    %get3A_552 = vector.shape_cast %get3A_551 : vector<16xf32> to vector<16xf32>
    %eq3A_553 = arith.constant 2 : i32
    %eq3A_554 = vector.broadcast %eq3A_553 : i32 to vector<16xi32>
    %eq3A_555 = arith.cmpi eq, %get3A_539, %eq3A_554 : vector<16xi32>
    %select_n3A_556 = arith.select %eq3A_555, %get3A_552, %select_n3A_549 : vector<16xi1>, vector<16xf32>
    %get3A_557 = arith.constant 912 : index
    %get3A_558 = tpu.vector_load %arg5[%get3A_557] {strides = array<i32>} : memref<2048xf32, #tpu.memory_space<vmem>>, vector<16xf32>,
    %get3A_559 = vector.shape_cast %get3A_558 : vector<16xf32> to vector<16xf32>
    %eq3A_560 = arith.constant 3 : i32
    %eq3A_561 = vector.broadcast %eq3A_560 : i32 to vector<16xi32>
    %eq3A_562 = arith.cmpi eq, %get3A_539, %eq3A_561 : vector<16xi32>
    %select_n3A_563 = arith.select %eq3A_562, %get3A_559, %select_n3A_556 : vector<16xi1>, vector<16xf32>
    %get3A_564 = arith.constant 1168 : index
    %get3A_565 = tpu.vector_load %arg5[%get3A_564] {strides = array<i32>} : memref<2048xf32, #tpu.memory_space<vmem>>, vector<16xf32>,
    %get3A_566 = vector.shape_cast %get3A_565 : vector<16xf32> to vector<16xf32>
    %eq3A_567 = arith.constant 4 : i32
    %eq3A_568 = vector.broadcast %eq3A_567 : i32 to vector<16xi32>
    %eq3A_569 = arith.cmpi eq, %get3A_539, %eq3A_568 : vector<16xi32>
    %select_n3A_570 = arith.select %eq3A_569, %get3A_566, %select_n3A_563 : vector<16xi1>, vector<16xf32>
    %get3A_571 = arith.constant 1424 : index
    %get3A_572 = tpu.vector_load %arg5[%get3A_571] {strides = array<i32>} : memref<2048xf32, #tpu.memory_space<vmem>>, vector<16xf32>,
    %get3A_573 = vector.shape_cast %get3A_572 : vector<16xf32> to vector<16xf32>
    %eq3A_574 = arith.constant 5 : i32
    %eq3A_575 = vector.broadcast %eq3A_574 : i32 to vector<16xi32>
    %eq3A_576 = arith.cmpi eq, %get3A_539, %eq3A_575 : vector<16xi32>
    %select_n3A_577 = arith.select %eq3A_576, %get3A_573, %select_n3A_570 : vector<16xi1>, vector<16xf32>
    %get3A_578 = arith.constant 1680 : index
    %get3A_579 = tpu.vector_load %arg5[%get3A_578] {strides = array<i32>} : memref<2048xf32, #tpu.memory_space<vmem>>, vector<16xf32>,
    %get3A_580 = vector.shape_cast %get3A_579 : vector<16xf32> to vector<16xf32>
    %eq3A_581 = arith.constant 6 : i32
    %eq3A_582 = vector.broadcast %eq3A_581 : i32 to vector<16xi32>
    %eq3A_583 = arith.cmpi eq, %get3A_539, %eq3A_582 : vector<16xi32>
    %select_n3A_584 = arith.select %eq3A_583, %get3A_580, %select_n3A_577 : vector<16xi1>, vector<16xf32>
    %get3A_585 = arith.constant 1936 : index
    %get3A_586 = tpu.vector_load %arg5[%get3A_585] {strides = array<i32>} : memref<2048xf32, #tpu.memory_space<vmem>>, vector<16xf32>,
    %get3A_587 = vector.shape_cast %get3A_586 : vector<16xf32> to vector<16xf32>
    %eq3A_588 = arith.constant 7 : i32
    %eq3A_589 = vector.broadcast %eq3A_588 : i32 to vector<16xi32>
    %eq3A_590 = arith.cmpi eq, %get3A_539, %eq3A_589 : vector<16xi32>
    %select_n3A_591 = arith.select %eq3A_590, %get3A_587, %select_n3A_584 : vector<16xi1>, vector<16xf32>
    %swap3A_592 = arith.constant 144 : index
    %swap3A_593 = tpu.vector_load %arg7[%swap3A_592] {strides = array<i32>} : memref<256xf32, #tpu.memory_space<vmem>>, vector<16xf32>,
    %swap3A_594 = vector.shape_cast %swap3A_593 : vector<16xf32> to vector<16xf32>
    %swap3A_595 = vector.shape_cast %select_n3A_591 : vector<16xf32> to vector<16xf32>
    tpu.vector_store %arg7[%swap3A_592], %swap3A_595 {strides = array<i32>} : memref<256xf32, #tpu.memory_space<vmem>>, vector<16xf32>,
    %get3A_596 = arith.constant 160 : index
    %get3A_597 = tpu.vector_load %arg6[%get3A_596] {strides = array<i32>} : memref<256xi32, #tpu.memory_space<vmem>>, vector<16xi32>,
    %get3A_598 = vector.shape_cast %get3A_597 : vector<16xi32> to vector<16xi32>
    %get3A_599 = arith.constant 160 : index
    %get3A_600 = tpu.vector_load %arg5[%get3A_599] {strides = array<i32>} : memref<2048xf32, #tpu.memory_space<vmem>>, vector<16xf32>,
    %get3A_601 = vector.shape_cast %get3A_600 : vector<16xf32> to vector<16xf32>
    %get3A_602 = arith.constant 416 : index
    %get3A_603 = tpu.vector_load %arg5[%get3A_602] {strides = array<i32>} : memref<2048xf32, #tpu.memory_space<vmem>>, vector<16xf32>,
    %get3A_604 = vector.shape_cast %get3A_603 : vector<16xf32> to vector<16xf32>
    %eq3A_605 = arith.constant 1 : i32
    %eq3A_606 = vector.broadcast %eq3A_605 : i32 to vector<16xi32>
    %eq3A_607 = arith.cmpi eq, %get3A_598, %eq3A_606 : vector<16xi32>
    %select_n3A_608 = arith.select %eq3A_607, %get3A_604, %get3A_601 : vector<16xi1>, vector<16xf32>
    %get3A_609 = arith.constant 672 : index
    %get3A_610 = tpu.vector_load %arg5[%get3A_609] {strides = array<i32>} : memref<2048xf32, #tpu.memory_space<vmem>>, vector<16xf32>,
    %get3A_611 = vector.shape_cast %get3A_610 : vector<16xf32> to vector<16xf32>
    %eq3A_612 = arith.constant 2 : i32
    %eq3A_613 = vector.broadcast %eq3A_612 : i32 to vector<16xi32>
    %eq3A_614 = arith.cmpi eq, %get3A_598, %eq3A_613 : vector<16xi32>
    %select_n3A_615 = arith.select %eq3A_614, %get3A_611, %select_n3A_608 : vector<16xi1>, vector<16xf32>
    %get3A_616 = arith.constant 928 : index
    %get3A_617 = tpu.vector_load %arg5[%get3A_616] {strides = array<i32>} : memref<2048xf32, #tpu.memory_space<vmem>>, vector<16xf32>,
    %get3A_618 = vector.shape_cast %get3A_617 : vector<16xf32> to vector<16xf32>
    %eq3A_619 = arith.constant 3 : i32
    %eq3A_620 = vector.broadcast %eq3A_619 : i32 to vector<16xi32>
    %eq3A_621 = arith.cmpi eq, %get3A_598, %eq3A_620 : vector<16xi32>
    %select_n3A_622 = arith.select %eq3A_621, %get3A_618, %select_n3A_615 : vector<16xi1>, vector<16xf32>
    %get3A_623 = arith.constant 1184 : index
    %get3A_624 = tpu.vector_load %arg5[%get3A_623] {strides = array<i32>} : memref<2048xf32, #tpu.memory_space<vmem>>, vector<16xf32>,
    %get3A_625 = vector.shape_cast %get3A_624 : vector<16xf32> to vector<16xf32>
    %eq3A_626 = arith.constant 4 : i32
    %eq3A_627 = vector.broadcast %eq3A_626 : i32 to vector<16xi32>
    %eq3A_628 = arith.cmpi eq, %get3A_598, %eq3A_627 : vector<16xi32>
    %select_n3A_629 = arith.select %eq3A_628, %get3A_625, %select_n3A_622 : vector<16xi1>, vector<16xf32>
    %get3A_630 = arith.constant 1440 : index
    %get3A_631 = tpu.vector_load %arg5[%get3A_630] {strides = array<i32>} : memref<2048xf32, #tpu.memory_space<vmem>>, vector<16xf32>,
    %get3A_632 = vector.shape_cast %get3A_631 : vector<16xf32> to vector<16xf32>
    %eq3A_633 = arith.constant 5 : i32
    %eq3A_634 = vector.broadcast %eq3A_633 : i32 to vector<16xi32>
    %eq3A_635 = arith.cmpi eq, %get3A_598, %eq3A_634 : vector<16xi32>
    %select_n3A_636 = arith.select %eq3A_635, %get3A_632, %select_n3A_629 : vector<16xi1>, vector<16xf32>
    %get3A_637 = arith.constant 1696 : index
    %get3A_638 = tpu.vector_load %arg5[%get3A_637] {strides = array<i32>} : memref<2048xf32, #tpu.memory_space<vmem>>, vector<16xf32>,
    %get3A_639 = vector.shape_cast %get3A_638 : vector<16xf32> to vector<16xf32>
    %eq3A_640 = arith.constant 6 : i32
    %eq3A_641 = vector.broadcast %eq3A_640 : i32 to vector<16xi32>
    %eq3A_642 = arith.cmpi eq, %get3A_598, %eq3A_641 : vector<16xi32>
    %select_n3A_643 = arith.select %eq3A_642, %get3A_639, %select_n3A_636 : vector<16xi1>, vector<16xf32>
    %get3A_644 = arith.constant 1952 : index
    %get3A_645 = tpu.vector_load %arg5[%get3A_644] {strides = array<i32>} : memref<2048xf32, #tpu.memory_space<vmem>>, vector<16xf32>,
    %get3A_646 = vector.shape_cast %get3A_645 : vector<16xf32> to vector<16xf32>
    %eq3A_647 = arith.constant 7 : i32
    %eq3A_648 = vector.broadcast %eq3A_647 : i32 to vector<16xi32>
    %eq3A_649 = arith.cmpi eq, %get3A_598, %eq3A_648 : vector<16xi32>
    %select_n3A_650 = arith.select %eq3A_649, %get3A_646, %select_n3A_643 : vector<16xi1>, vector<16xf32>
    %swap3A_651 = arith.constant 160 : index
    %swap3A_652 = tpu.vector_load %arg7[%swap3A_651] {strides = array<i32>} : memref<256xf32, #tpu.memory_space<vmem>>, vector<16xf32>,
    %swap3A_653 = vector.shape_cast %swap3A_652 : vector<16xf32> to vector<16xf32>
    %swap3A_654 = vector.shape_cast %select_n3A_650 : vector<16xf32> to vector<16xf32>
    tpu.vector_store %arg7[%swap3A_651], %swap3A_654 {strides = array<i32>} : memref<256xf32, #tpu.memory_space<vmem>>, vector<16xf32>,
    %get3A_655 = arith.constant 176 : index
    %get3A_656 = tpu.vector_load %arg6[%get3A_655] {strides = array<i32>} : memref<256xi32, #tpu.memory_space<vmem>>, vector<16xi32>,
    %get3A_657 = vector.shape_cast %get3A_656 : vector<16xi32> to vector<16xi32>
    %get3A_658 = arith.constant 176 : index
    %get3A_659 = tpu.vector_load %arg5[%get3A_658] {strides = array<i32>} : memref<2048xf32, #tpu.memory_space<vmem>>, vector<16xf32>,
    %get3A_660 = vector.shape_cast %get3A_659 : vector<16xf32> to vector<16xf32>
    %get3A_661 = arith.constant 432 : index
    %get3A_662 = tpu.vector_load %arg5[%get3A_661] {strides = array<i32>} : memref<2048xf32, #tpu.memory_space<vmem>>, vector<16xf32>,
    %get3A_663 = vector.shape_cast %get3A_662 : vector<16xf32> to vector<16xf32>
    %eq3A_664 = arith.constant 1 : i32
    %eq3A_665 = vector.broadcast %eq3A_664 : i32 to vector<16xi32>
    %eq3A_666 = arith.cmpi eq, %get3A_657, %eq3A_665 : vector<16xi32>
    %select_n3A_667 = arith.select %eq3A_666, %get3A_663, %get3A_660 : vector<16xi1>, vector<16xf32>
    %get3A_668 = arith.constant 688 : index
    %get3A_669 = tpu.vector_load %arg5[%get3A_668] {strides = array<i32>} : memref<2048xf32, #tpu.memory_space<vmem>>, vector<16xf32>,
    %get3A_670 = vector.shape_cast %get3A_669 : vector<16xf32> to vector<16xf32>
    %eq3A_671 = arith.constant 2 : i32
    %eq3A_672 = vector.broadcast %eq3A_671 : i32 to vector<16xi32>
    %eq3A_673 = arith.cmpi eq, %get3A_657, %eq3A_672 : vector<16xi32>
    %select_n3A_674 = arith.select %eq3A_673, %get3A_670, %select_n3A_667 : vector<16xi1>, vector<16xf32>
    %get3A_675 = arith.constant 944 : index
    %get3A_676 = tpu.vector_load %arg5[%get3A_675] {strides = array<i32>} : memref<2048xf32, #tpu.memory_space<vmem>>, vector<16xf32>,
    %get3A_677 = vector.shape_cast %get3A_676 : vector<16xf32> to vector<16xf32>
    %eq3A_678 = arith.constant 3 : i32
    %eq3A_679 = vector.broadcast %eq3A_678 : i32 to vector<16xi32>
    %eq3A_680 = arith.cmpi eq, %get3A_657, %eq3A_679 : vector<16xi32>
    %select_n3A_681 = arith.select %eq3A_680, %get3A_677, %select_n3A_674 : vector<16xi1>, vector<16xf32>
    %get3A_682 = arith.constant 1200 : index
    %get3A_683 = tpu.vector_load %arg5[%get3A_682] {strides = array<i32>} : memref<2048xf32, #tpu.memory_space<vmem>>, vector<16xf32>,
    %get3A_684 = vector.shape_cast %get3A_683 : vector<16xf32> to vector<16xf32>
    %eq3A_685 = arith.constant 4 : i32
    %eq3A_686 = vector.broadcast %eq3A_685 : i32 to vector<16xi32>
    %eq3A_687 = arith.cmpi eq, %get3A_657, %eq3A_686 : vector<16xi32>
    %select_n3A_688 = arith.select %eq3A_687, %get3A_684, %select_n3A_681 : vector<16xi1>, vector<16xf32>
    %get3A_689 = arith.constant 1456 : index
    %get3A_690 = tpu.vector_load %arg5[%get3A_689] {strides = array<i32>} : memref<2048xf32, #tpu.memory_space<vmem>>, vector<16xf32>,
    %get3A_691 = vector.shape_cast %get3A_690 : vector<16xf32> to vector<16xf32>
    %eq3A_692 = arith.constant 5 : i32
    %eq3A_693 = vector.broadcast %eq3A_692 : i32 to vector<16xi32>
    %eq3A_694 = arith.cmpi eq, %get3A_657, %eq3A_693 : vector<16xi32>
    %select_n3A_695 = arith.select %eq3A_694, %get3A_691, %select_n3A_688 : vector<16xi1>, vector<16xf32>
    %get3A_696 = arith.constant 1712 : index
    %get3A_697 = tpu.vector_load %arg5[%get3A_696] {strides = array<i32>} : memref<2048xf32, #tpu.memory_space<vmem>>, vector<16xf32>,
    %get3A_698 = vector.shape_cast %get3A_697 : vector<16xf32> to vector<16xf32>
    %eq3A_699 = arith.constant 6 : i32
    %eq3A_700 = vector.broadcast %eq3A_699 : i32 to vector<16xi32>
    %eq3A_701 = arith.cmpi eq, %get3A_657, %eq3A_700 : vector<16xi32>
    %select_n3A_702 = arith.select %eq3A_701, %get3A_698, %select_n3A_695 : vector<16xi1>, vector<16xf32>
    %get3A_703 = arith.constant 1968 : index
    %get3A_704 = tpu.vector_load %arg5[%get3A_703] {strides = array<i32>} : memref<2048xf32, #tpu.memory_space<vmem>>, vector<16xf32>,
    %get3A_705 = vector.shape_cast %get3A_704 : vector<16xf32> to vector<16xf32>
    %eq3A_706 = arith.constant 7 : i32
    %eq3A_707 = vector.broadcast %eq3A_706 : i32 to vector<16xi32>
    %eq3A_708 = arith.cmpi eq, %get3A_657, %eq3A_707 : vector<16xi32>
    %select_n3A_709 = arith.select %eq3A_708, %get3A_705, %select_n3A_702 : vector<16xi1>, vector<16xf32>
    %swap3A_710 = arith.constant 176 : index
    %swap3A_711 = tpu.vector_load %arg7[%swap3A_710] {strides = array<i32>} : memref<256xf32, #tpu.memory_space<vmem>>, vector<16xf32>,
    %swap3A_712 = vector.shape_cast %swap3A_711 : vector<16xf32> to vector<16xf32>
    %swap3A_713 = vector.shape_cast %select_n3A_709 : vector<16xf32> to vector<16xf32>
    tpu.vector_store %arg7[%swap3A_710], %swap3A_713 {strides = array<i32>} : memref<256xf32, #tpu.memory_space<vmem>>, vector<16xf32>,
    %get3A_714 = arith.constant 192 : index
    %get3A_715 = tpu.vector_load %arg6[%get3A_714] {strides = array<i32>} : memref<256xi32, #tpu.memory_space<vmem>>, vector<16xi32>,
    %get3A_716 = vector.shape_cast %get3A_715 : vector<16xi32> to vector<16xi32>
    %get3A_717 = arith.constant 192 : index
    %get3A_718 = tpu.vector_load %arg5[%get3A_717] {strides = array<i32>} : memref<2048xf32, #tpu.memory_space<vmem>>, vector<16xf32>,
    %get3A_719 = vector.shape_cast %get3A_718 : vector<16xf32> to vector<16xf32>
    %get3A_720 = arith.constant 448 : index
    %get3A_721 = tpu.vector_load %arg5[%get3A_720] {strides = array<i32>} : memref<2048xf32, #tpu.memory_space<vmem>>, vector<16xf32>,
    %get3A_722 = vector.shape_cast %get3A_721 : vector<16xf32> to vector<16xf32>
    %eq3A_723 = arith.constant 1 : i32
    %eq3A_724 = vector.broadcast %eq3A_723 : i32 to vector<16xi32>
    %eq3A_725 = arith.cmpi eq, %get3A_716, %eq3A_724 : vector<16xi32>
    %select_n3A_726 = arith.select %eq3A_725, %get3A_722, %get3A_719 : vector<16xi1>, vector<16xf32>
    %get3A_727 = arith.constant 704 : index
    %get3A_728 = tpu.vector_load %arg5[%get3A_727] {strides = array<i32>} : memref<2048xf32, #tpu.memory_space<vmem>>, vector<16xf32>,
    %get3A_729 = vector.shape_cast %get3A_728 : vector<16xf32> to vector<16xf32>
    %eq3A_730 = arith.constant 2 : i32
    %eq3A_731 = vector.broadcast %eq3A_730 : i32 to vector<16xi32>
    %eq3A_732 = arith.cmpi eq, %get3A_716, %eq3A_731 : vector<16xi32>
    %select_n3A_733 = arith.select %eq3A_732, %get3A_729, %select_n3A_726 : vector<16xi1>, vector<16xf32>
    %get3A_734 = arith.constant 960 : index
    %get3A_735 = tpu.vector_load %arg5[%get3A_734] {strides = array<i32>} : memref<2048xf32, #tpu.memory_space<vmem>>, vector<16xf32>,
    %get3A_736 = vector.shape_cast %get3A_735 : vector<16xf32> to vector<16xf32>
    %eq3A_737 = arith.constant 3 : i32
    %eq3A_738 = vector.broadcast %eq3A_737 : i32 to vector<16xi32>
    %eq3A_739 = arith.cmpi eq, %get3A_716, %eq3A_738 : vector<16xi32>
    %select_n3A_740 = arith.select %eq3A_739, %get3A_736, %select_n3A_733 : vector<16xi1>, vector<16xf32>
    %get3A_741 = arith.constant 1216 : index
    %get3A_742 = tpu.vector_load %arg5[%get3A_741] {strides = array<i32>} : memref<2048xf32, #tpu.memory_space<vmem>>, vector<16xf32>,
    %get3A_743 = vector.shape_cast %get3A_742 : vector<16xf32> to vector<16xf32>
    %eq3A_744 = arith.constant 4 : i32
    %eq3A_745 = vector.broadcast %eq3A_744 : i32 to vector<16xi32>
    %eq3A_746 = arith.cmpi eq, %get3A_716, %eq3A_745 : vector<16xi32>
    %select_n3A_747 = arith.select %eq3A_746, %get3A_743, %select_n3A_740 : vector<16xi1>, vector<16xf32>
    %get3A_748 = arith.constant 1472 : index
    %get3A_749 = tpu.vector_load %arg5[%get3A_748] {strides = array<i32>} : memref<2048xf32, #tpu.memory_space<vmem>>, vector<16xf32>,
    %get3A_750 = vector.shape_cast %get3A_749 : vector<16xf32> to vector<16xf32>
    %eq3A_751 = arith.constant 5 : i32
    %eq3A_752 = vector.broadcast %eq3A_751 : i32 to vector<16xi32>
    %eq3A_753 = arith.cmpi eq, %get3A_716, %eq3A_752 : vector<16xi32>
    %select_n3A_754 = arith.select %eq3A_753, %get3A_750, %select_n3A_747 : vector<16xi1>, vector<16xf32>
    %get3A_755 = arith.constant 1728 : index
    %get3A_756 = tpu.vector_load %arg5[%get3A_755] {strides = array<i32>} : memref<2048xf32, #tpu.memory_space<vmem>>, vector<16xf32>,
    %get3A_757 = vector.shape_cast %get3A_756 : vector<16xf32> to vector<16xf32>
    %eq3A_758 = arith.constant 6 : i32
    %eq3A_759 = vector.broadcast %eq3A_758 : i32 to vector<16xi32>
    %eq3A_760 = arith.cmpi eq, %get3A_716, %eq3A_759 : vector<16xi32>
    %select_n3A_761 = arith.select %eq3A_760, %get3A_757, %select_n3A_754 : vector<16xi1>, vector<16xf32>
    %get3A_762 = arith.constant 1984 : index
    %get3A_763 = tpu.vector_load %arg5[%get3A_762] {strides = array<i32>} : memref<2048xf32, #tpu.memory_space<vmem>>, vector<16xf32>,
    %get3A_764 = vector.shape_cast %get3A_763 : vector<16xf32> to vector<16xf32>
    %eq3A_765 = arith.constant 7 : i32
    %eq3A_766 = vector.broadcast %eq3A_765 : i32 to vector<16xi32>
    %eq3A_767 = arith.cmpi eq, %get3A_716, %eq3A_766 : vector<16xi32>
    %select_n3A_768 = arith.select %eq3A_767, %get3A_764, %select_n3A_761 : vector<16xi1>, vector<16xf32>
    %swap3A_769 = arith.constant 192 : index
    %swap3A_770 = tpu.vector_load %arg7[%swap3A_769] {strides = array<i32>} : memref<256xf32, #tpu.memory_space<vmem>>, vector<16xf32>,
    %swap3A_771 = vector.shape_cast %swap3A_770 : vector<16xf32> to vector<16xf32>
    %swap3A_772 = vector.shape_cast %select_n3A_768 : vector<16xf32> to vector<16xf32>
    tpu.vector_store %arg7[%swap3A_769], %swap3A_772 {strides = array<i32>} : memref<256xf32, #tpu.memory_space<vmem>>, vector<16xf32>,
    %get3A_773 = arith.constant 208 : index
    %get3A_774 = tpu.vector_load %arg6[%get3A_773] {strides = array<i32>} : memref<256xi32, #tpu.memory_space<vmem>>, vector<16xi32>,
    %get3A_775 = vector.shape_cast %get3A_774 : vector<16xi32> to vector<16xi32>
    %get3A_776 = arith.constant 208 : index
    %get3A_777 = tpu.vector_load %arg5[%get3A_776] {strides = array<i32>} : memref<2048xf32, #tpu.memory_space<vmem>>, vector<16xf32>,
    %get3A_778 = vector.shape_cast %get3A_777 : vector<16xf32> to vector<16xf32>
    %get3A_779 = arith.constant 464 : index
    %get3A_780 = tpu.vector_load %arg5[%get3A_779] {strides = array<i32>} : memref<2048xf32, #tpu.memory_space<vmem>>, vector<16xf32>,
    %get3A_781 = vector.shape_cast %get3A_780 : vector<16xf32> to vector<16xf32>
    %eq3A_782 = arith.constant 1 : i32
    %eq3A_783 = vector.broadcast %eq3A_782 : i32 to vector<16xi32>
    %eq3A_784 = arith.cmpi eq, %get3A_775, %eq3A_783 : vector<16xi32>
    %select_n3A_785 = arith.select %eq3A_784, %get3A_781, %get3A_778 : vector<16xi1>, vector<16xf32>
    %get3A_786 = arith.constant 720 : index
    %get3A_787 = tpu.vector_load %arg5[%get3A_786] {strides = array<i32>} : memref<2048xf32, #tpu.memory_space<vmem>>, vector<16xf32>,
    %get3A_788 = vector.shape_cast %get3A_787 : vector<16xf32> to vector<16xf32>
    %eq3A_789 = arith.constant 2 : i32
    %eq3A_790 = vector.broadcast %eq3A_789 : i32 to vector<16xi32>
    %eq3A_791 = arith.cmpi eq, %get3A_775, %eq3A_790 : vector<16xi32>
    %select_n3A_792 = arith.select %eq3A_791, %get3A_788, %select_n3A_785 : vector<16xi1>, vector<16xf32>
    %get3A_793 = arith.constant 976 : index
    %get3A_794 = tpu.vector_load %arg5[%get3A_793] {strides = array<i32>} : memref<2048xf32, #tpu.memory_space<vmem>>, vector<16xf32>,
    %get3A_795 = vector.shape_cast %get3A_794 : vector<16xf32> to vector<16xf32>
    %eq3A_796 = arith.constant 3 : i32
    %eq3A_797 = vector.broadcast %eq3A_796 : i32 to vector<16xi32>
    %eq3A_798 = arith.cmpi eq, %get3A_775, %eq3A_797 : vector<16xi32>
    %select_n3A_799 = arith.select %eq3A_798, %get3A_795, %select_n3A_792 : vector<16xi1>, vector<16xf32>
    %get3A_800 = arith.constant 1232 : index
    %get3A_801 = tpu.vector_load %arg5[%get3A_800] {strides = array<i32>} : memref<2048xf32, #tpu.memory_space<vmem>>, vector<16xf32>,
    %get3A_802 = vector.shape_cast %get3A_801 : vector<16xf32> to vector<16xf32>
    %eq3A_803 = arith.constant 4 : i32
    %eq3A_804 = vector.broadcast %eq3A_803 : i32 to vector<16xi32>
    %eq3A_805 = arith.cmpi eq, %get3A_775, %eq3A_804 : vector<16xi32>
    %select_n3A_806 = arith.select %eq3A_805, %get3A_802, %select_n3A_799 : vector<16xi1>, vector<16xf32>
    %get3A_807 = arith.constant 1488 : index
    %get3A_808 = tpu.vector_load %arg5[%get3A_807] {strides = array<i32>} : memref<2048xf32, #tpu.memory_space<vmem>>, vector<16xf32>,
    %get3A_809 = vector.shape_cast %get3A_808 : vector<16xf32> to vector<16xf32>
    %eq3A_810 = arith.constant 5 : i32
    %eq3A_811 = vector.broadcast %eq3A_810 : i32 to vector<16xi32>
    %eq3A_812 = arith.cmpi eq, %get3A_775, %eq3A_811 : vector<16xi32>
    %select_n3A_813 = arith.select %eq3A_812, %get3A_809, %select_n3A_806 : vector<16xi1>, vector<16xf32>
    %get3A_814 = arith.constant 1744 : index
    %get3A_815 = tpu.vector_load %arg5[%get3A_814] {strides = array<i32>} : memref<2048xf32, #tpu.memory_space<vmem>>, vector<16xf32>,
    %get3A_816 = vector.shape_cast %get3A_815 : vector<16xf32> to vector<16xf32>
    %eq3A_817 = arith.constant 6 : i32
    %eq3A_818 = vector.broadcast %eq3A_817 : i32 to vector<16xi32>
    %eq3A_819 = arith.cmpi eq, %get3A_775, %eq3A_818 : vector<16xi32>
    %select_n3A_820 = arith.select %eq3A_819, %get3A_816, %select_n3A_813 : vector<16xi1>, vector<16xf32>
    %get3A_821 = arith.constant 2000 : index
    %get3A_822 = tpu.vector_load %arg5[%get3A_821] {strides = array<i32>} : memref<2048xf32, #tpu.memory_space<vmem>>, vector<16xf32>,
    %get3A_823 = vector.shape_cast %get3A_822 : vector<16xf32> to vector<16xf32>
    %eq3A_824 = arith.constant 7 : i32
    %eq3A_825 = vector.broadcast %eq3A_824 : i32 to vector<16xi32>
    %eq3A_826 = arith.cmpi eq, %get3A_775, %eq3A_825 : vector<16xi32>
    %select_n3A_827 = arith.select %eq3A_826, %get3A_823, %select_n3A_820 : vector<16xi1>, vector<16xf32>
    %swap3A_828 = arith.constant 208 : index
    %swap3A_829 = tpu.vector_load %arg7[%swap3A_828] {strides = array<i32>} : memref<256xf32, #tpu.memory_space<vmem>>, vector<16xf32>,
    %swap3A_830 = vector.shape_cast %swap3A_829 : vector<16xf32> to vector<16xf32>
    %swap3A_831 = vector.shape_cast %select_n3A_827 : vector<16xf32> to vector<16xf32>
    tpu.vector_store %arg7[%swap3A_828], %swap3A_831 {strides = array<i32>} : memref<256xf32, #tpu.memory_space<vmem>>, vector<16xf32>,
    %get3A_832 = arith.constant 224 : index
    %get3A_833 = tpu.vector_load %arg6[%get3A_832] {strides = array<i32>} : memref<256xi32, #tpu.memory_space<vmem>>, vector<16xi32>,
    %get3A_834 = vector.shape_cast %get3A_833 : vector<16xi32> to vector<16xi32>
    %get3A_835 = arith.constant 224 : index
    %get3A_836 = tpu.vector_load %arg5[%get3A_835] {strides = array<i32>} : memref<2048xf32, #tpu.memory_space<vmem>>, vector<16xf32>,
    %get3A_837 = vector.shape_cast %get3A_836 : vector<16xf32> to vector<16xf32>
    %get3A_838 = arith.constant 480 : index
    %get3A_839 = tpu.vector_load %arg5[%get3A_838] {strides = array<i32>} : memref<2048xf32, #tpu.memory_space<vmem>>, vector<16xf32>,
    %get3A_840 = vector.shape_cast %get3A_839 : vector<16xf32> to vector<16xf32>
    %eq3A_841 = arith.constant 1 : i32
    %eq3A_842 = vector.broadcast %eq3A_841 : i32 to vector<16xi32>
    %eq3A_843 = arith.cmpi eq, %get3A_834, %eq3A_842 : vector<16xi32>
    %select_n3A_844 = arith.select %eq3A_843, %get3A_840, %get3A_837 : vector<16xi1>, vector<16xf32>
    %get3A_845 = arith.constant 736 : index
    %get3A_846 = tpu.vector_load %arg5[%get3A_845] {strides = array<i32>} : memref<2048xf32, #tpu.memory_space<vmem>>, vector<16xf32>,
    %get3A_847 = vector.shape_cast %get3A_846 : vector<16xf32> to vector<16xf32>
    %eq3A_848 = arith.constant 2 : i32
    %eq3A_849 = vector.broadcast %eq3A_848 : i32 to vector<16xi32>
    %eq3A_850 = arith.cmpi eq, %get3A_834, %eq3A_849 : vector<16xi32>
    %select_n3A_851 = arith.select %eq3A_850, %get3A_847, %select_n3A_844 : vector<16xi1>, vector<16xf32>
    %get3A_852 = arith.constant 992 : index
    %get3A_853 = tpu.vector_load %arg5[%get3A_852] {strides = array<i32>} : memref<2048xf32, #tpu.memory_space<vmem>>, vector<16xf32>,
    %get3A_854 = vector.shape_cast %get3A_853 : vector<16xf32> to vector<16xf32>
    %eq3A_855 = arith.constant 3 : i32
    %eq3A_856 = vector.broadcast %eq3A_855 : i32 to vector<16xi32>
    %eq3A_857 = arith.cmpi eq, %get3A_834, %eq3A_856 : vector<16xi32>
    %select_n3A_858 = arith.select %eq3A_857, %get3A_854, %select_n3A_851 : vector<16xi1>, vector<16xf32>
    %get3A_859 = arith.constant 1248 : index
    %get3A_860 = tpu.vector_load %arg5[%get3A_859] {strides = array<i32>} : memref<2048xf32, #tpu.memory_space<vmem>>, vector<16xf32>,
    %get3A_861 = vector.shape_cast %get3A_860 : vector<16xf32> to vector<16xf32>
    %eq3A_862 = arith.constant 4 : i32
    %eq3A_863 = vector.broadcast %eq3A_862 : i32 to vector<16xi32>
    %eq3A_864 = arith.cmpi eq, %get3A_834, %eq3A_863 : vector<16xi32>
    %select_n3A_865 = arith.select %eq3A_864, %get3A_861, %select_n3A_858 : vector<16xi1>, vector<16xf32>
    %get3A_866 = arith.constant 1504 : index
    %get3A_867 = tpu.vector_load %arg5[%get3A_866] {strides = array<i32>} : memref<2048xf32, #tpu.memory_space<vmem>>, vector<16xf32>,
    %get3A_868 = vector.shape_cast %get3A_867 : vector<16xf32> to vector<16xf32>
    %eq3A_869 = arith.constant 5 : i32
    %eq3A_870 = vector.broadcast %eq3A_869 : i32 to vector<16xi32>
    %eq3A_871 = arith.cmpi eq, %get3A_834, %eq3A_870 : vector<16xi32>
    %select_n3A_872 = arith.select %eq3A_871, %get3A_868, %select_n3A_865 : vector<16xi1>, vector<16xf32>
    %get3A_873 = arith.constant 1760 : index
    %get3A_874 = tpu.vector_load %arg5[%get3A_873] {strides = array<i32>} : memref<2048xf32, #tpu.memory_space<vmem>>, vector<16xf32>,
    %get3A_875 = vector.shape_cast %get3A_874 : vector<16xf32> to vector<16xf32>
    %eq3A_876 = arith.constant 6 : i32
    %eq3A_877 = vector.broadcast %eq3A_876 : i32 to vector<16xi32>
    %eq3A_878 = arith.cmpi eq, %get3A_834, %eq3A_877 : vector<16xi32>
    %select_n3A_879 = arith.select %eq3A_878, %get3A_875, %select_n3A_872 : vector<16xi1>, vector<16xf32>
    %get3A_880 = arith.constant 2016 : index
    %get3A_881 = tpu.vector_load %arg5[%get3A_880] {strides = array<i32>} : memref<2048xf32, #tpu.memory_space<vmem>>, vector<16xf32>,
    %get3A_882 = vector.shape_cast %get3A_881 : vector<16xf32> to vector<16xf32>
    %eq3A_883 = arith.constant 7 : i32
    %eq3A_884 = vector.broadcast %eq3A_883 : i32 to vector<16xi32>
    %eq3A_885 = arith.cmpi eq, %get3A_834, %eq3A_884 : vector<16xi32>
    %select_n3A_886 = arith.select %eq3A_885, %get3A_882, %select_n3A_879 : vector<16xi1>, vector<16xf32>
    %swap3A_887 = arith.constant 224 : index
    %swap3A_888 = tpu.vector_load %arg7[%swap3A_887] {strides = array<i32>} : memref<256xf32, #tpu.memory_space<vmem>>, vector<16xf32>,
    %swap3A_889 = vector.shape_cast %swap3A_888 : vector<16xf32> to vector<16xf32>
    %swap3A_890 = vector.shape_cast %select_n3A_886 : vector<16xf32> to vector<16xf32>
    tpu.vector_store %arg7[%swap3A_887], %swap3A_890 {strides = array<i32>} : memref<256xf32, #tpu.memory_space<vmem>>, vector<16xf32>,
    %get3A_891 = arith.constant 240 : index
    %get3A_892 = tpu.vector_load %arg6[%get3A_891] {strides = array<i32>} : memref<256xi32, #tpu.memory_space<vmem>>, vector<16xi32>,
    %get3A_893 = vector.shape_cast %get3A_892 : vector<16xi32> to vector<16xi32>
    %get3A_894 = arith.constant 240 : index
    %get3A_895 = tpu.vector_load %arg5[%get3A_894] {strides = array<i32>} : memref<2048xf32, #tpu.memory_space<vmem>>, vector<16xf32>,
    %get3A_896 = vector.shape_cast %get3A_895 : vector<16xf32> to vector<16xf32>
    %get3A_897 = arith.constant 496 : index
    %get3A_898 = tpu.vector_load %arg5[%get3A_897] {strides = array<i32>} : memref<2048xf32, #tpu.memory_space<vmem>>, vector<16xf32>,
    %get3A_899 = vector.shape_cast %get3A_898 : vector<16xf32> to vector<16xf32>
    %eq3A_900 = arith.constant 1 : i32
    %eq3A_901 = vector.broadcast %eq3A_900 : i32 to vector<16xi32>
    %eq3A_902 = arith.cmpi eq, %get3A_893, %eq3A_901 : vector<16xi32>
    %select_n3A_903 = arith.select %eq3A_902, %get3A_899, %get3A_896 : vector<16xi1>, vector<16xf32>
    %get3A_904 = arith.constant 752 : index
    %get3A_905 = tpu.vector_load %arg5[%get3A_904] {strides = array<i32>} : memref<2048xf32, #tpu.memory_space<vmem>>, vector<16xf32>,
    %get3A_906 = vector.shape_cast %get3A_905 : vector<16xf32> to vector<16xf32>
    %eq3A_907 = arith.constant 2 : i32
    %eq3A_908 = vector.broadcast %eq3A_907 : i32 to vector<16xi32>
    %eq3A_909 = arith.cmpi eq, %get3A_893, %eq3A_908 : vector<16xi32>
    %select_n3A_910 = arith.select %eq3A_909, %get3A_906, %select_n3A_903 : vector<16xi1>, vector<16xf32>
    %get3A_911 = arith.constant 1008 : index
    %get3A_912 = tpu.vector_load %arg5[%get3A_911] {strides = array<i32>} : memref<2048xf32, #tpu.memory_space<vmem>>, vector<16xf32>,
    %get3A_913 = vector.shape_cast %get3A_912 : vector<16xf32> to vector<16xf32>
    %eq3A_914 = arith.constant 3 : i32
    %eq3A_915 = vector.broadcast %eq3A_914 : i32 to vector<16xi32>
    %eq3A_916 = arith.cmpi eq, %get3A_893, %eq3A_915 : vector<16xi32>
    %select_n3A_917 = arith.select %eq3A_916, %get3A_913, %select_n3A_910 : vector<16xi1>, vector<16xf32>
    %get3A_918 = arith.constant 1264 : index
    %get3A_919 = tpu.vector_load %arg5[%get3A_918] {strides = array<i32>} : memref<2048xf32, #tpu.memory_space<vmem>>, vector<16xf32>,
    %get3A_920 = vector.shape_cast %get3A_919 : vector<16xf32> to vector<16xf32>
    %eq3A_921 = arith.constant 4 : i32
    %eq3A_922 = vector.broadcast %eq3A_921 : i32 to vector<16xi32>
    %eq3A_923 = arith.cmpi eq, %get3A_893, %eq3A_922 : vector<16xi32>
    %select_n3A_924 = arith.select %eq3A_923, %get3A_920, %select_n3A_917 : vector<16xi1>, vector<16xf32>
    %get3A_925 = arith.constant 1520 : index
    %get3A_926 = tpu.vector_load %arg5[%get3A_925] {strides = array<i32>} : memref<2048xf32, #tpu.memory_space<vmem>>, vector<16xf32>,
    %get3A_927 = vector.shape_cast %get3A_926 : vector<16xf32> to vector<16xf32>
    %eq3A_928 = arith.constant 5 : i32
    %eq3A_929 = vector.broadcast %eq3A_928 : i32 to vector<16xi32>
    %eq3A_930 = arith.cmpi eq, %get3A_893, %eq3A_929 : vector<16xi32>
    %select_n3A_931 = arith.select %eq3A_930, %get3A_927, %select_n3A_924 : vector<16xi1>, vector<16xf32>
    %get3A_932 = arith.constant 1776 : index
    %get3A_933 = tpu.vector_load %arg5[%get3A_932] {strides = array<i32>} : memref<2048xf32, #tpu.memory_space<vmem>>, vector<16xf32>,
    %get3A_934 = vector.shape_cast %get3A_933 : vector<16xf32> to vector<16xf32>
    %eq3A_935 = arith.constant 6 : i32
    %eq3A_936 = vector.broadcast %eq3A_935 : i32 to vector<16xi32>
    %eq3A_937 = arith.cmpi eq, %get3A_893, %eq3A_936 : vector<16xi32>
    %select_n3A_938 = arith.select %eq3A_937, %get3A_934, %select_n3A_931 : vector<16xi1>, vector<16xf32>
    %get3A_939 = arith.constant 2032 : index
    %get3A_940 = tpu.vector_load %arg5[%get3A_939] {strides = array<i32>} : memref<2048xf32, #tpu.memory_space<vmem>>, vector<16xf32>,
    %get3A_941 = vector.shape_cast %get3A_940 : vector<16xf32> to vector<16xf32>
    %eq3A_942 = arith.constant 7 : i32
    %eq3A_943 = vector.broadcast %eq3A_942 : i32 to vector<16xi32>
    %eq3A_944 = arith.cmpi eq, %get3A_893, %eq3A_943 : vector<16xi32>
    %select_n3A_945 = arith.select %eq3A_944, %get3A_941, %select_n3A_938 : vector<16xi1>, vector<16xf32>
    %swap3A_946 = arith.constant 240 : index
    %swap3A_947 = tpu.vector_load %arg7[%swap3A_946] {strides = array<i32>} : memref<256xf32, #tpu.memory_space<vmem>>, vector<16xf32>,
    %swap3A_948 = vector.shape_cast %swap3A_947 : vector<16xf32> to vector<16xf32>
    %swap3A_949 = vector.shape_cast %select_n3A_945 : vector<16xf32> to vector<16xf32>
    tpu.vector_store %arg7[%swap3A_946], %swap3A_949 {strides = array<i32>} : memref<256xf32, #tpu.memory_space<vmem>>, vector<16xf32>,
    "tpu.region"() ({
      %run_scoped3A_950 = tpu.sem_alloc : memref<!tpu.dma_semaphore, #tpu.memory_space<semaphore_mem>>
      %dma_start3A = tpu.memref_slice %arg4[%mul3A_2] : memref<8192xf32, #tpu.memory_space<hbm>> -> memref<256xf32, #tpu.memory_space<hbm>>
      %dma_start3A_951 = tpu.memref_slice %arg4[%mul3A_2] : memref<8192xf32, #tpu.memory_space<hbm>> -> memref<256xf32, #tpu.memory_space<hbm>>
      tpu.enqueue_dma source(%arg7 : memref<256xf32, #tpu.memory_space<vmem>>) target(%dma_start3A_951 : memref<256xf32, #tpu.memory_space<hbm>>) target_semaphore(%run_scoped3A_950 : memref<!tpu.dma_semaphore, #tpu.memory_space<semaphore_mem>>)
      %dma_wait3A = tpu.memref_slice %arg4[%mul3A_2] : memref<8192xf32, #tpu.memory_space<hbm>> -> memref<256xf32, #tpu.memory_space<hbm>>
      %dma_wait3A_952 = tpu.memref_slice %arg4[%mul3A_2] : memref<8192xf32, #tpu.memory_space<hbm>> -> memref<256xf32, #tpu.memory_space<hbm>>
      tpu.wait_dma2 semaphore(%run_scoped3A_950 : memref<!tpu.dma_semaphore, #tpu.memory_space<semaphore_mem>>) src(%arg7 : memref<256xf32, #tpu.memory_space<vmem>>) dst(%dma_wait3A_952 : memref<256xf32, #tpu.memory_space<hbm>>)
      tpu.yield
    }) : () -> ()
    return
  }
}

module attributes {stable_mosaic.version = 14 : i64} {
  func.func @_scores_kernel(%arg0: i32, %arg1: memref<4096x128xf32, #tpu.memory_space<vmem>>, %arg2: memref<8x128x64xf32, #tpu.memory_space<vmem>>, %arg3: memref<8x64xf32, #tpu.memory_space<vmem>>, %arg4: memref<8x64xf32, #tpu.memory_space<vmem>>, %arg5: memref<1x1xf32, #tpu.memory_space<vmem>>, %arg6: memref<8x4096xf32, #tpu.memory_space<vmem>>, %arg7: memref<128x512xf32, #tpu.memory_space<vmem>>, %arg8: memref<512x1xf32, #tpu.memory_space<vmem>>, %arg9: memref<8x512xf32, #tpu.memory_space<vmem>>) attributes {dimension_semantics = [#tpu.dimension_semantics<arbitrary>], iteration_bounds = array<i64: 2>, scalar_prefetch = 0 : i64, scratch_operands = 3 : i64, tpu.core_type = #tpu.core_type<tc>, window_params = [{transform_indices = @transform_0, window_bounds = array<i64: 4096, 128>}, {pipeline_mode = #tpu.pipeline_mode<synchronous>, transform_indices = @transform_1, window_bounds = array<i64: 8, 128, 64>}, {pipeline_mode = #tpu.pipeline_mode<synchronous>, transform_indices = @transform_2, window_bounds = array<i64: 8, 64>}, {pipeline_mode = #tpu.pipeline_mode<synchronous>, transform_indices = @transform_3, window_bounds = array<i64: 8, 64>}, {pipeline_mode = #tpu.pipeline_mode<synchronous>, transform_indices = @transform_4, window_bounds = array<i64: 1, 1>}, {transform_indices = @transform_5, window_bounds = array<i64: 8, 4096>}]} {
    %eq3A = arith.constant 0 : i32
    %eq3A_0 = arith.cmpi eq, %arg0, %eq3A : i32
    %convert_element_type3A = arith.extui %eq3A_0 : i1 to i32
    %cond3A = arith.constant 0 : i32
    %cond3A_1 = arith.cmpi ne, %convert_element_type3A, %cond3A : i32
    scf.if %cond3A_1 {
      %get3A_25 = arith.constant 0 : index
      %get3A_26 = arith.constant 0 : index
      %get3A_27 = arith.constant 0 : index
      %get3A_28 = vector.load %arg2[%get3A_25, %get3A_26, %get3A_27] : memref<8x128x64xf32, #tpu.memory_space<vmem>>, vector<1x128x64xf32>
      %get3A_29 = vector.shape_cast %get3A_28 : vector<1x128x64xf32> to vector<128x64xf32>
      %get3A_30 = arith.constant 1 : index
      %get3A_31 = arith.constant 0 : index
      %get3A_32 = arith.constant 0 : index
      %get3A_33 = vector.load %arg2[%get3A_30, %get3A_31, %get3A_32] : memref<8x128x64xf32, #tpu.memory_space<vmem>>, vector<1x128x64xf32>
      %get3A_34 = vector.shape_cast %get3A_33 : vector<1x128x64xf32> to vector<128x64xf32>
      %get3A_35 = arith.constant 2 : index
      %get3A_36 = arith.constant 0 : index
      %get3A_37 = arith.constant 0 : index
      %get3A_38 = vector.load %arg2[%get3A_35, %get3A_36, %get3A_37] : memref<8x128x64xf32, #tpu.memory_space<vmem>>, vector<1x128x64xf32>
      %get3A_39 = vector.shape_cast %get3A_38 : vector<1x128x64xf32> to vector<128x64xf32>
      %get3A_40 = arith.constant 3 : index
      %get3A_41 = arith.constant 0 : index
      %get3A_42 = arith.constant 0 : index
      %get3A_43 = vector.load %arg2[%get3A_40, %get3A_41, %get3A_42] : memref<8x128x64xf32, #tpu.memory_space<vmem>>, vector<1x128x64xf32>
      %get3A_44 = vector.shape_cast %get3A_43 : vector<1x128x64xf32> to vector<128x64xf32>
      %get3A_45 = arith.constant 4 : index
      %get3A_46 = arith.constant 0 : index
      %get3A_47 = arith.constant 0 : index
      %get3A_48 = vector.load %arg2[%get3A_45, %get3A_46, %get3A_47] : memref<8x128x64xf32, #tpu.memory_space<vmem>>, vector<1x128x64xf32>
      %get3A_49 = vector.shape_cast %get3A_48 : vector<1x128x64xf32> to vector<128x64xf32>
      %get3A_50 = arith.constant 5 : index
      %get3A_51 = arith.constant 0 : index
      %get3A_52 = arith.constant 0 : index
      %get3A_53 = vector.load %arg2[%get3A_50, %get3A_51, %get3A_52] : memref<8x128x64xf32, #tpu.memory_space<vmem>>, vector<1x128x64xf32>
      %get3A_54 = vector.shape_cast %get3A_53 : vector<1x128x64xf32> to vector<128x64xf32>
      %get3A_55 = arith.constant 6 : index
      %get3A_56 = arith.constant 0 : index
      %get3A_57 = arith.constant 0 : index
      %get3A_58 = vector.load %arg2[%get3A_55, %get3A_56, %get3A_57] : memref<8x128x64xf32, #tpu.memory_space<vmem>>, vector<1x128x64xf32>
      %get3A_59 = vector.shape_cast %get3A_58 : vector<1x128x64xf32> to vector<128x64xf32>
      %get3A_60 = arith.constant 7 : index
      %get3A_61 = arith.constant 0 : index
      %get3A_62 = arith.constant 0 : index
      %get3A_63 = vector.load %arg2[%get3A_60, %get3A_61, %get3A_62] : memref<8x128x64xf32, #tpu.memory_space<vmem>>, vector<1x128x64xf32>
      %get3A_64 = vector.shape_cast %get3A_63 : vector<1x128x64xf32> to vector<128x64xf32>
      %concatenate3A = tpu.concatenate %get3A_29, %get3A_34, %get3A_39, %get3A_44, %get3A_49, %get3A_54, %get3A_59, %get3A_64 in 1 : vector<128x64xf32>, vector<128x64xf32>, vector<128x64xf32>, vector<128x64xf32>, vector<128x64xf32>, vector<128x64xf32>, vector<128x64xf32>, vector<128x64xf32> -> vector<128x512xf32>
      %swap3A_65 = arith.constant 0 : index
      %swap3A_66 = arith.constant 0 : index
      %swap3A_67 = vector.load %arg7[%swap3A_65, %swap3A_66] : memref<128x512xf32, #tpu.memory_space<vmem>>, vector<128x512xf32>
      tpu.vector_store %arg7[%swap3A_65, %swap3A_66], %concatenate3A {strides = array<i32>} : memref<128x512xf32, #tpu.memory_space<vmem>>, vector<128x512xf32>,
      %get3A_68 = arith.constant 0 : index
      %get3A_69 = arith.constant 0 : index
      %get3A_70 = vector.load %arg3[%get3A_68, %get3A_69] : memref<8x64xf32, #tpu.memory_space<vmem>>, vector<1x64xf32>
      %get3A_71 = arith.constant 1 : index
      %get3A_72 = arith.constant 0 : index
      %get3A_73 = vector.load %arg3[%get3A_71, %get3A_72] : memref<8x64xf32, #tpu.memory_space<vmem>>, vector<1x64xf32>
      %get3A_74 = arith.constant 2 : index
      %get3A_75 = arith.constant 0 : index
      %get3A_76 = vector.load %arg3[%get3A_74, %get3A_75] : memref<8x64xf32, #tpu.memory_space<vmem>>, vector<1x64xf32>
      %get3A_77 = arith.constant 3 : index
      %get3A_78 = arith.constant 0 : index
      %get3A_79 = vector.load %arg3[%get3A_77, %get3A_78] : memref<8x64xf32, #tpu.memory_space<vmem>>, vector<1x64xf32>
      %get3A_80 = arith.constant 4 : index
      %get3A_81 = arith.constant 0 : index
      %get3A_82 = vector.load %arg3[%get3A_80, %get3A_81] : memref<8x64xf32, #tpu.memory_space<vmem>>, vector<1x64xf32>
      %get3A_83 = arith.constant 5 : index
      %get3A_84 = arith.constant 0 : index
      %get3A_85 = vector.load %arg3[%get3A_83, %get3A_84] : memref<8x64xf32, #tpu.memory_space<vmem>>, vector<1x64xf32>
      %get3A_86 = arith.constant 6 : index
      %get3A_87 = arith.constant 0 : index
      %get3A_88 = vector.load %arg3[%get3A_86, %get3A_87] : memref<8x64xf32, #tpu.memory_space<vmem>>, vector<1x64xf32>
      %get3A_89 = arith.constant 7 : index
      %get3A_90 = arith.constant 0 : index
      %get3A_91 = vector.load %arg3[%get3A_89, %get3A_90] : memref<8x64xf32, #tpu.memory_space<vmem>>, vector<1x64xf32>
      %concatenate3A_92 = tpu.concatenate %get3A_70, %get3A_73, %get3A_76, %get3A_79, %get3A_82, %get3A_85, %get3A_88, %get3A_91 in 1 : vector<1x64xf32>, vector<1x64xf32>, vector<1x64xf32>, vector<1x64xf32>, vector<1x64xf32>, vector<1x64xf32>, vector<1x64xf32>, vector<1x64xf32> -> vector<1x512xf32>
      %transpose3A = tpu.transpose %concatenate3A_92, [1, 0] : vector<1x512xf32> -> vector<512x1xf32>
      %swap3A_93 = arith.constant 0 : index
      %swap3A_94 = arith.constant 0 : index
      %swap3A_95 = vector.load %arg8[%swap3A_93, %swap3A_94] : memref<512x1xf32, #tpu.memory_space<vmem>>, vector<512x1xf32>
      tpu.vector_store %arg8[%swap3A_93, %swap3A_94], %transpose3A {strides = array<i32>} : memref<512x1xf32, #tpu.memory_space<vmem>>, vector<512x1xf32>,
      %iota3A = tpu.iota {dimensions = array<i32: 1>} : vector<8x512xi32>
      %iota3A_96 = tpu.iota {dimensions = array<i32: 0>} : vector<8x512xi32>
      %get3A_97 = arith.constant 0 : index
      %get3A_98 = arith.constant 0 : index
      %get3A_99 = vector.load %arg4[%get3A_97, %get3A_98] : memref<8x64xf32, #tpu.memory_space<vmem>>, vector<8x64xf32>
      %tile3A = tpu.concatenate %get3A_99, %get3A_99, %get3A_99, %get3A_99, %get3A_99, %get3A_99, %get3A_99, %get3A_99 in 1 : vector<8x64xf32>, vector<8x64xf32>, vector<8x64xf32>, vector<8x64xf32>, vector<8x64xf32>, vector<8x64xf32>, vector<8x64xf32>, vector<8x64xf32> -> vector<8x512xf32>
      %jit3A = arith.constant 64 : i32
      %div3A = vector.broadcast %jit3A : i32 to vector<8x512xi32>
      %div3A_100 = arith.divsi %iota3A, %div3A : vector<8x512xi32>
      %sign3A = arith.constant 0 : i32
      %sign3A_101 = vector.broadcast %sign3A : i32 to vector<8x512xi32>
      %sign3A_102 = arith.cmpi sgt, %iota3A, %sign3A_101 : vector<8x512xi32>
      %sign3A_103 = arith.extui %sign3A_102 : vector<8x512xi1> to vector<8x512xi32>
      %sign3A_104 = arith.constant 0 : i32
      %sign3A_105 = vector.broadcast %sign3A_104 : i32 to vector<8x512xi32>
      %sign3A_106 = arith.cmpi slt, %iota3A, %sign3A_105 : vector<8x512xi32>
      %sign3A_107 = arith.extui %sign3A_106 : vector<8x512xi1> to vector<8x512xi32>
      %sign3A_108 = arith.subi %sign3A_103, %sign3A_107 : vector<8x512xi32>
      %sign3A_109 = arith.constant 0 : i32
      %sign3A_110 = arith.cmpi sgt, %jit3A, %sign3A_109 : i32
      %sign3A_111 = arith.extui %sign3A_110 : i1 to i32
      %sign3A_112 = arith.constant 0 : i32
      %sign3A_113 = arith.cmpi slt, %jit3A, %sign3A_112 : i32
      %sign3A_114 = arith.extui %sign3A_113 : i1 to i32
      %sign3A_115 = arith.subi %sign3A_111, %sign3A_114 : i32
      %ne3A = vector.broadcast %sign3A_115 : i32 to vector<8x512xi32>
      %ne3A_116 = arith.cmpi ne, %sign3A_108, %ne3A : vector<8x512xi32>
      %rem3A = vector.broadcast %jit3A : i32 to vector<8x512xi32>
      %rem3A_117 = arith.remsi %iota3A, %rem3A : vector<8x512xi32>
      %ne3A_118 = arith.constant 0 : i32
      %ne3A_119 = vector.broadcast %ne3A_118 : i32 to vector<8x512xi32>
      %ne3A_120 = arith.cmpi ne, %rem3A_117, %ne3A_119 : vector<8x512xi32>
      %and3A = arith.andi %ne3A_116, %ne3A_120 : vector<8x512xi1>
      %sub3A = arith.constant 1 : i32
      %sub3A_121 = vector.broadcast %sub3A : i32 to vector<8x512xi32>
      %sub3A_122 = arith.subi %div3A_100, %sub3A_121 : vector<8x512xi32>
      %select_n3A = arith.select %and3A, %sub3A_122, %div3A_100 : vector<8x512xi1>, vector<8x512xi32>
      %eq3A_123 = arith.cmpi eq, %select_n3A, %iota3A_96 : vector<8x512xi32>
      %jit3A_124 = arith.constant 0.000000e+00 : f32
      %broadcast_in_dim3A = vector.broadcast %jit3A_124 : f32 to vector<8x512xf32>
      %select_n3A_125 = arith.select %eq3A_123, %tile3A, %broadcast_in_dim3A : vector<8x512xi1>, vector<8x512xf32>
      %swap3A_126 = arith.constant 0 : index
      %swap3A_127 = arith.constant 0 : index
      %swap3A_128 = vector.load %arg9[%swap3A_126, %swap3A_127] : memref<8x512xf32, #tpu.memory_space<vmem>>, vector<8x512xf32>
      tpu.vector_store %arg9[%swap3A_126, %swap3A_127], %select_n3A_125 {strides = array<i32>} : memref<8x512xf32, #tpu.memory_space<vmem>>, vector<8x512xf32>,
    } else {
    }
    %get3A = arith.constant 0 : index
    %get3A_2 = arith.constant 0 : index
    %get3A_3 = vector.load %arg1[%get3A, %get3A_2] : memref<4096x128xf32, #tpu.memory_space<vmem>>, vector<4096x128xf32>
    %get3A_4 = arith.constant 0 : index
    %get3A_5 = arith.constant 0 : index
    %get3A_6 = vector.load %arg7[%get3A_4, %get3A_5] : memref<128x512xf32, #tpu.memory_space<vmem>>, vector<128x512xf32>
    %dot_general3A = arith.constant dense<0.000000e+00> : vector<512x4096xf32>
    %dot_general3A_7 = tpu.matmul %get3A_6, %get3A_3, %dot_general3A {dimension_numbers = #tpu.dot_dimension_numbers<[0], [1], [1], [0], [0, 1, 1, 0], [], []>, transpose_lhs_hint = false} : vector<128x512xf32>, vector<4096x128xf32>, vector<512x4096xf32> -> vector<512x4096xf32>
    %get3A_8 = arith.constant 0 : index
    %get3A_9 = arith.constant 0 : index
    %get3A_10 = vector.load %arg8[%get3A_8, %get3A_9] : memref<512x1xf32, #tpu.memory_space<vmem>>, vector<512x1xf32>
    %add3A = vector.broadcast %get3A_10 : vector<512x1xf32> to vector<512x4096xf32>
    %add3A_11 = arith.addf %dot_general3A_7, %add3A : vector<512x4096xf32>
    %tanh3A = math.tanh %add3A_11 : vector<512x4096xf32>
    %get3A_12 = arith.constant 0 : index
    %get3A_13 = arith.constant 0 : index
    %get3A_14 = vector.load %arg9[%get3A_12, %get3A_13] : memref<8x512xf32, #tpu.memory_space<vmem>>, vector<8x512xf32>
    %dot_general3A_15 = arith.constant dense<0.000000e+00> : vector<8x4096xf32>
    %dot_general3A_16 = tpu.matmul %get3A_14, %tanh3A, %dot_general3A_15 {dimension_numbers = #tpu.dot_dimension_numbers<[1], [0], [0], [1], [0, 0, 1, 1], [], []>, transpose_lhs_hint = false} : vector<8x512xf32>, vector<512x4096xf32>, vector<8x4096xf32> -> vector<8x4096xf32>
    %get3A_17 = arith.constant 0 : index
    %get3A_18 = arith.constant 0 : index
    %get3A_19 = vector.load %arg5[%get3A_17, %get3A_18] : memref<1x1xf32, #tpu.memory_space<vmem>>, vector<1x1xf32>
    %get3A_20 = vector.extract %get3A_19[0, 0] : f32 from vector<1x1xf32>
    %add3A_21 = vector.broadcast %get3A_20 : f32 to vector<8x4096xf32>
    %add3A_22 = arith.addf %dot_general3A_16, %add3A_21 : vector<8x4096xf32>
    %swap3A = arith.constant 0 : index
    %swap3A_23 = arith.constant 0 : index
    %swap3A_24 = vector.load %arg6[%swap3A, %swap3A_23] : memref<8x4096xf32, #tpu.memory_space<vmem>>, vector<8x4096xf32>
    tpu.vector_store %arg6[%swap3A, %swap3A_23], %add3A_22 {strides = array<i32>} : memref<8x4096xf32, #tpu.memory_space<vmem>>, vector<8x4096xf32>,
    return
  }
  func.func @transform_0(%arg0: i32) -> (i32, i32) {
    %c0_i32 = arith.constant 0 : i32
    %c0_i32_0 = arith.constant 0 : i32
    return %arg0, %c0_i32 : i32, i32
  }
  func.func @transform_1(%arg0: i32) -> (i32, i32, i32) {
    %c0_i32 = arith.constant 0 : i32
    %c0_i32_0 = arith.constant 0 : i32
    %c0_i32_1 = arith.constant 0 : i32
    %c0_i32_2 = arith.constant 0 : i32
    return %c0_i32, %c0_i32_0, %c0_i32_1 : i32, i32, i32
  }
  func.func @transform_2(%arg0: i32) -> (i32, i32) {
    %c0_i32 = arith.constant 0 : i32
    %c0_i32_0 = arith.constant 0 : i32
    %c0_i32_1 = arith.constant 0 : i32
    return %c0_i32, %c0_i32_0 : i32, i32
  }
  func.func @transform_3(%arg0: i32) -> (i32, i32) {
    %c0_i32 = arith.constant 0 : i32
    %c0_i32_0 = arith.constant 0 : i32
    %c0_i32_1 = arith.constant 0 : i32
    return %c0_i32, %c0_i32_0 : i32, i32
  }
  func.func @transform_4(%arg0: i32) -> (i32, i32) {
    %c0_i32 = arith.constant 0 : i32
    %c0_i32_0 = arith.constant 0 : i32
    %c0_i32_1 = arith.constant 0 : i32
    return %c0_i32, %c0_i32_0 : i32, i32
  }
  func.func @transform_5(%arg0: i32) -> (i32, i32) {
    %c0_i32 = arith.constant 0 : i32
    %c0_i32_0 = arith.constant 0 : i32
    return %c0_i32, %arg0 : i32, i32
  }
}

</mosaic_0001>

<sc_bundles>
// kernel: kernel.4.cloned.1.call-start
scs
__scs_entry_jumppad:
0x0: {  	(pc) =	sbr.rel $0x88, $3  }
0x1: {  	(tag) =	ssettag $0x0;
	lr =	simm.s32 $0x1  }
0x2: {  	[smem:$0x3F9B] =	sst lr;
	_ =	strace $0xD0000000  }
0x3: {  	_ = 	snop  }
0x4: {  	_ = 	snop  }
0x5: {  	_ = 	snop  }
0x6: {  	_ = 	snop  }
0x7: {  	_ = 	snop  }
__scs_overlays_trampoline_lowered:
0x8: {  	[smem:$0x3FAA] =	sst s0  }
0x9: {  	[smem:$0x3FAB] =	sst s1  }
0xa: {  	[smem:$0x3FAC] =	sst s2  }
0xb: {  	[smem:$0x3FAD] =	sst s3  }
0xc: {  	[smem:$0x3FAE] =	sst s4  }
0xd: {  	[smem:$0x3FAF] =	sst s5  }
0xe: {  	[smem:$0x3FB0] =	sst s6  }
0xf: {  	[smem:$0x3FB1] =	sst s7  }
0x10: {  	[smem:$0x3FB2] =	sst s8  }
0x11: {  	[smem:$0x3FB3] =	sst s9;
	s0 =	simm.s32 @!p0 $0x0  }
0x12: {  	s1 =	sld [smem:$0x3F99];
	s0 =	simm.s32 @p0 $0x1  }
0x13: {  	[smem:$0x3FB4] =	sst s0;
	s0 =	simm.s32 @!p1 $0x0  }
0x14: {  	s2 =	sld [smem:$0x3F98];
	s0 =	simm.s32 @p1 $0x1  }
0x15: {  	[smem:$0x3FB5] =	sst s0;
	s0 =	simm.s32 @!p2 $0x0  }
0x16: {  	s3 =	sld [smem:$0x3FDB];
	s0 =	simm.s32 @p2 $0x1  }
0x17: {  	s4 =	simm.s32 $0x1BF5;
	[smem:$0x3FB7] =	sst s0  }
0x18: {  	s0 =	sld [smem:$0x3F9A];
	_ =	swait.ge [sflag:s4], $0x0  }
0x19: {  	s7 =	sld [smem:$0x3F9B]  }
0x1a: {  	s8 =	sadd.s32 $0xFFFFE003, lr  }
0x1b: {  	s9 =	sadd.s32 $0xFFFFFEF7, lr;
	s5 =	simm.s32 $0xFFFFFFFF;
	p2 =	slt.u32 s8, $0xFFFFF086  }
0x1c: {  	p1 =	slt.u32 s9, $0xF7A;
	s5 =	simm.s32 @!p2 $0x0  }
0x1d: {  	s5 =	simm.s32 @p1 $0x1;
	p0 =	seq.s32 s7, s2  }
0x1e: {  	s7 =	smul.u32 @!p0 $0xF7A, s2;
	p2 =	seq.s32 @!p0 s5, $0x0  }
0x1f: {  	s9 =	smul.u32 $0xF7A, s1;
	s8 =	simm.s32 @!p0 $0x1BF5;
	p2 =	por !p2, p0  }
0x20: {  	[sflag:s8] =	ssyncset.s32 @!p0 $0xFFFFF086;
	s6 =	sadd.s32 @!p0 s3, s7;
	s7 =	simm.s32 @!p0 $0x108  }
0x21: {  	s3 =	sadd.s32 s3, s9;
	s6 =	sadd.s32 @!p0 $0x88, s6;
	s7 =	simm.s32 @p2 $0x1082  }
0x22: {  	[simem:s7], [sflag:s8] =	dma.local @!p0 [hbm:s6], $0xF7A  }
0x23: {  	s9 =	sor.u32 $0xD0000000, s2;
	s6 =	simm.s32 $0x108;
	_ =	swait.ge @!p0 [sflag:s8], $0x0  }
0x24: {  	s3 =	sadd.s32 $0x88, s3;
	s6 =	simm.s32 @!p1 $0x1082;
	[sflag:s4] =	ssyncset.s32 $0xFFFFF086  }
0x25: {  	[simem:s6], [sflag:s4] =	dma.local [hbm:s3], $0xF7A  }
0x26: {  	[smem:$0x3F9B] =	sst s1;
	(tag) =	ssettag s2;
	_ =	strace s9  }
0x27: {  	s1 =	sld [smem:$0x3FAB]  }
0x28: {  	s2 =	sld [smem:$0x3FAC]  }
0x29: {  	s4 =	sld [smem:$0x3FAE]  }
0x2a: {  	p0 =	seq.s32 s5, $0x0;
	s5 =	sld [smem:$0x3FAF]  }
0x2b: {  	s6 =	sld [smem:$0x3FB0]  }
0x2c: {  	s7 =	sld [smem:$0x3FB1]  }
0x2d: {  	s3 =	simm.s32 $0x108;
	s8 =	sld [smem:$0x3FB2]  }
0x2e: {  	s3 =	simm.s32 @!p0 $0x1082;
	s9 =	sld [smem:$0x3FB3]  }
0x2f: {  	lr =	sadd.s32 s0, s3;
	s0 =	sld [smem:$0x3FAA]  }
0x30: {  	s3 =	sld [smem:$0x3FAD]  }
0x31: {  	[smem:$0x3FB6] =	sst s10  }
0x32: {  	s10 =	sld [smem:$0x3FB4];
	_ =	sdelay $0x3  }
0x33: {  	p0 =	seq.s32 s10, $0x1;
	s10 =	sld [smem:$0x3FB6];
	_ =	sdelay $0x3  }
0x34: {  	[smem:$0x3FB6] =	sst s10  }
0x35: {  	s10 =	sld [smem:$0x3FB5];
	_ =	sdelay $0x3  }
0x36: {  	p1 =	seq.s32 s10, $0x1;
	s10 =	sld [smem:$0x3FB6];
	_ =	sdelay $0x3  }
0x37: {  	[smem:$0x3FB6] =	sst s10  }
0x38: {  	s10 =	sld [smem:$0x3FB7]  }
0x39: {  	_ = 	snop;
	(pc) =	sbr.ind lr, $3  }
0x3a: {  	_ = 	snop  }
0x3b: {  	_ = 	snop  }
0x3c: {  	p2 =	seq.s32 s10, $0x1;
	s10 =	sld [smem:$0x3FB6]  }
0x3d: {  	_ =	shalt  }
0x3e: {  	_ =	shalt  }
0x3f: {  	_ =	shalt  }
0x40: {  	_ =	shalt  }
0x41: {  	_ =	shalt  }
0x42: {  	_ =	shalt  }
0x43: {  	_ =	shalt  }
0x44: {  	_ =	shalt  }
0x45: {  	_ =	shalt  }
0x46: {  	_ =	shalt  }
0x47: {  	_ =	shalt  }
0x48: {  	_ =	shalt  }
0x49: {  	_ =	shalt  }
0x4a: {  	_ =	shalt  }
0x4b: {  	_ =	shalt  }
0x4c: {  	_ =	shalt  }
0x4d: {  	_ =	shalt  }
0x4e: {  	_ =	shalt  }
0x4f: {  	_ =	shalt  }
0x50: {  	_ =	shalt  }
0x51: {  	_ =	shalt  }
0x52: {  	_ =	shalt  }
0x53: {  	_ =	shalt  }
0x54: {  	_ =	shalt  }
0x55: {  	_ =	shalt  }
0x56: {  	_ =	shalt  }
0x57: {  	_ =	shalt  }
0x58: {  	_ =	shalt  }
0x59: {  	_ =	shalt  }
0x5a: {  	_ =	shalt  }
0x5b: {  	_ =	shalt  }
0x5c: {  	_ =	shalt  }
0x5d: {  	_ =	shalt  }
0x5e: {  	_ =	shalt  }
0x5f: {  	_ =	shalt  }
0x60: {  	_ =	shalt  }
0x61: {  	_ =	shalt  }
0x62: {  	_ =	shalt  }
0x63: {  	_ =	shalt  }
0x64: {  	_ =	shalt  }
0x65: {  	_ =	shalt  }
0x66: {  	_ =	shalt  }
0x67: {  	_ =	shalt  }
0x68: {  	_ =	shalt  }
0x69: {  	_ =	shalt  }
0x6a: {  	_ =	shalt  }
0x6b: {  	_ =	shalt  }
0x6c: {  	_ =	shalt  }
0x6d: {  	_ =	shalt  }
0x6e: {  	_ =	shalt  }
0x6f: {  	_ =	shalt  }
0x70: {  	_ =	shalt  }
0x71: {  	_ =	shalt  }
0x72: {  	_ =	shalt  }
0x73: {  	_ =	shalt  }
0x74: {  	_ =	shalt  }
0x75: {  	_ =	shalt  }
0x76: {  	_ =	shalt  }
0x77: {  	_ =	shalt  }
0x78: {  	_ =	shalt  }
0x79: {  	_ =	shalt  }
0x7a: {  	_ =	shalt  }
0x7b: {  	_ =	shalt  }
0x7c: {  	_ =	shalt  }
0x7d: {  	_ =	shalt  }
0x7e: {  	_ =	shalt  }
0x7f: {  	_ =	shalt  }
0x80: {  	_ =	shalt  }
0x81: {  	_ =	shalt  }
0x82: {  	_ =	shalt  }
0x83: {  	_ =	shalt  }
0x84: {  	_ =	shalt  }
0x85: {  	_ =	shalt  }
0x86: {  	_ =	shalt  }
0x87: {  	_ =	shalt  }
.Lfunc_end0:
.L_simem_size_0:
called_computation_lowered:
.L_overlay_start_0:
0x88: {  	s2 =	sld [smem:$0x3FD9]  }
0x89: {  	s3 =	sld [smem:$0x3FFE];
	_ =	sdelay $0x1  }
0x8a: {  	s1 =	srdreg.scid  }
0x8b: {  	s0 =	sand.u32 $0x1, s1  }
0x8c: {  	s17 =	sshll.u32 s0, $0xA;
	s2 =	sadd.s32 s3, s2  }
0x8d: {  	s2 =	sadd.s32 s2, s17  }
0x8e: {  	[smem:$0x3FC2] =	sst s2  }
0x8f: {  	_ = 	snop  }
0x90: {  	s2 =	sld [smem:$0x3FC8]  }
0x91: {  	s18 =	sld [smem:$0x3FD0];
	(tm) =	ssettm $0x1  }
0x92: {  	s4 =	sld [smem:$0x3FFB];
	_ =	sdelay $0x3  }
0x93: {  	_ =	strace s4  }
0x94: {  	s4 =	sld [smem:$0x3FFC];
	_ =	sdelay $0x3  }
0x95: {  	_ =	strace s4  }
0x96: {  	s4 =	sld [smem:$0x3FFD];
	_ =	sdelay $0x3  }
0x97: {  	_ =	strace s4  }
0x98: {  	_ =	strace $0x8FFFFFFF  }
0x99: {  	s19 =	sld [smem:$0x3FDB];
	_ =	sdelay $0x1  }
0x9a: {  	s5 =	simm.s32 $_scs_section_size  }
0x9b: {  	s6 =	simm.s32 $_size__tile_overlayer_lowered;
	s7 =	simm.s32 $_tile_overlayer_lowered  }
0x9c: {  	s22 =	simm.s32 $0x1BFF;
	s21 =	sshll.u32 s7, $0x1;
	s4 =	sadd.s32 s5, s19  }
0x9d: {  	s8 =	simm.s32 $0x0;
	s20 =	sshll.u32 s6, $0x1;
	s6 =	sadd.s32 s21, s4  }
0x9e: {  	[timem:s8], [sflag:s22] =	dma.local [hbm:s6], s20  }
0x9f: {  	_ =	swait.ge [sflag:s22], s20  }
0xa0: {  	s5 =	ssub.s32 $0x0, s20;
	[sflag:s22] =	ssyncset.done $0x0  }
0xa1: {  	[sflag:s22] =	ssyncadd.s32 s5;
	_ =	sdelay $0x1  }
0xa2: {  	s23 =	simm.s32 $0x1B8B  }
0xa3: {  	_ =	swait.ge [sflag:s23], $0x1  }
0xa4: {  	[sflag:s23] =	ssyncset.done $0x0  }
0xa5: {  	s25 =	simm.s32 $0x1B8E;
	s24 =	sld [smem:$0x3FFE];
	[sflag:s23] =	ssyncadd.s32 $0xFFFFFFFF  }
0xa6: {  	s26 =	simm.s32 $execute0_lowered;
	[smem:$0x3FD2] =	sst s25  }
0xa7: {  	s6 =	sshll.u32 s26, $0x1;
	_ =	strace $0x80000046;
	[dreg:$0x1] =	wrdreg $0xFFFFFFFF  }
0xa8: {  	s28 =	simm.s32 $_size_execute0_lowered;
	s4 =	sadd.s32 s4, s6;
	[dreg:$0x0] =	wrdreg $0x0  }
0xa9: {  	s6 =	sshll.u32 s28, $0x1;
	[dreg:$0x2] =	wrdreg s4  }
0xaa: {  	[dreg:$0x3] =	wrdreg s6  }
0xab: {  	[dreg:$0x4] =	wrdreg $0xC0  }
0xac: {  	_ =	task [dreg:s8], $0x5FFFF  }
0xad: {  	[dreg:$0x1] =	wrdreg $0xFFFFFFFF  }
0xae: {  	[dreg:$0x0] =	wrdreg $0x60  }
0xaf: {  	[dreg:$0x2] =	wrdreg s24  }
0xb0: {  	[dreg:$0x3] =	wrdreg s2  }
0xb1: {  	[dreg:$0x4] =	wrdreg s18  }
0xb2: {  	[dreg:$0x5] =	wrdreg $0x9  }
0xb3: {  	_ =	task.clear_ibuf [dreg:s8], $0x6FFFF;
	_ =	strace $0x90000046  }
0xb4: {  	s29 =	simm.s32 $0x9;
	_ =	strace $0x80000048  }
0xb5: {  	_ =	swait.ge [sflag:s29], $0x1  }
0xb6: {  	[sflag:s29] =	ssyncadd.s32 $0xFFFFFFFF  }
0xb7: {  	_ =	strace $0x90000048  }
0xb8: {  	_ =	sfence  }
0xb9: {  	s30 =	sld [smem:$0x0];
	_ =	sdelay $0x2  }
0xba: {  	s31 =	sshll.u32 s1, $0xD;
	s1 =	sshrl.u32 s1, $0x2  }
0xbb: {  	s3 =	sand.u32 $0x4000, s31;
	s1 =	sadd.s32 s1, s30  }
0xbc: {  	s0 =	sor.u32 s3, s0;
	s1 =	sshll.u32 s1, $0x11  }
0xbd: {  	s0 =	sor.u32 s1, s0  }
0xbe: {  	s0 =	sadd.s32 $0x8F2B, s0  }
0xbf: {  	[sflag:s0] =	ssyncadd.remote.s32 $0x1  }
0xc0: {  	_ =	sfence.sel $0xFFFF  }
0xc1: {  	[dreg:$0x0] =	wrdreg $0xFFFFFFFF;
	(pc) =	sbr.abs _section_cstart, $3  }
0xc2: {  	[dreg:$0x1] =	wrdreg $0xFFFFFFFF  }
0xc3: {  	_ =	task.clear_ibuf [dreg:s8], $0x2FFFF;
	_ =	strace $0x9FFFFFFF  }
0xc4: {  	(tm) =	ssettm $0x7FFFFFFF  }
0xc5: {  	_ =	shalt  }
tec
execute0_lowered:
.L_overlay_start_1:
0x0: {  	(tag) =	ssettag $0x1  }
0x1: {  	s3 =	rddreg [dreg:$0x0]  }
0x2: {  	s11 =	rddreg [dreg:$0x1]  }
0x3: {  	s12 =	rddreg [dreg:$0x2];
	s2 =	srdreg.scid  }
0x4: {  	s0 =	rddreg [dreg:$0x3];
	s1 =	stileid.u32;
	s16 =	simm.s32 $0x1  }
0x5: {  	s17 =	simm.s32 $0x100;
	s18 =	simm.s32 $0x200;
	s19 =	simm.s32 $0x300  }
0x6: {  	s20 =	simm.s32 $0x500;
	s21 =	simm.s32 $0x600;
	s22 =	simm.s32 $0x700  }
0x7: {  	s23 =	simm.s32 $0x800;
	s24 =	simm.s32 $0x900;
	s4 =	sand.u32 $0x1, s2  }
0x8: {  	s2 =	simm.s32 $0x0;
	s5 =	sshll.u32 s1, $0x9;
	s6 =	sshll.u32 s4, $0x8  }
0x9: {  	[smem:$0x7FF] =	sst s2;
	s4 =	ssub.s32 $0x2, s4;
	s10 =	sor.u32 s6, s5  }
0xa: {  	_ =	strace $0x80000047;
	s31 =	sshrl.u32 s4, $0x1;
	s13 =	sadd.s32 s10, s3  }
0xb: {  	s14 =	ssub.s32 s4, s31;
	s15 =	sshrl.u32 s10, $0x3;
	s3 =	sadd.s32 $0xC00, s13  }
0xc: {  	s4 =	sadd.s32 $0xC10, s13;
	s5 =	sadd.s32 $0xC20, s13;
	s6 =	sadd.s32 $0xC30, s13  }
0xd: {  	s7 =	sadd.s32 $0xC40, s13;
	s8 =	sadd.s32 $0xC50, s13;
	s9 =	sadd.s32 $0xC60, s13  }
0xe: {  	s10 =	sadd.s32 $0xC70, s13;
	s11 =	sadd.s32 s11, s15;
	s12 =	sadd.s32 s12, s15  }
0xf: {  	s13 =	smax.u32 s14, $0x1;
	s14 =	simm.s32 $0x80;
	s15 =	simm.s32 $0x400  }
.LBB2_1:
0x10: {  	[tilespmem:s2], [sflag:$0x1] =	stream.strided.gather [hbm4b:s3+s14], $0x100, s15, s14, $0x38;
	[tilespmem:$0xA00] =	vst v63  }
0x11: {  	_ =	swait.ge [sflag:s16], $0x100  }
0x12: {  	[sflag:s16] =	ssyncset.done $0x0  }
0x13: {  	[sflag:s16] =	ssyncadd.s32 $0xFFFFFF00  }
0x14: {  	[tilespmem:s17], [sflag:$0x1] =	stream.strided.gather [hbm4b:s4+s14], $0x100, s15, s14, $0x38;
	[tilespmem:$0xA00] =	vst v63  }
0x15: {  	_ =	swait.ge [sflag:s16], $0x100  }
0x16: {  	[sflag:s16] =	ssyncset.done $0x0  }
0x17: {  	[sflag:s16] =	ssyncadd.s32 $0xFFFFFF00  }
0x18: {  	[tilespmem:s18], [sflag:$0x1] =	stream.strided.gather [hbm4b:s5+s14], $0x100, s15, s14, $0x38;
	[tilespmem:$0xA00] =	vst v63  }
0x19: {  	_ =	swait.ge [sflag:s16], $0x100  }
0x1a: {  	[sflag:s16] =	ssyncset.done $0x0  }
0x1b: {  	[sflag:s16] =	ssyncadd.s32 $0xFFFFFF00  }
0x1c: {  	[tilespmem:s19], [sflag:$0x1] =	stream.strided.gather [hbm4b:s6+s14], $0x100, s15, s14, $0x38;
	[tilespmem:$0xA00] =	vst v63  }
0x1d: {  	_ =	swait.ge [sflag:s16], $0x100  }
0x1e: {  	[sflag:s16] =	ssyncset.done $0x0  }
0x1f: {  	[sflag:s16] =	ssyncadd.s32 $0xFFFFFF00  }
0x20: {  	[tilespmem:s15], [sflag:$0x1] =	stream.strided.gather [hbm4b:s7+s14], $0x100, s15, s14, $0x38;
	[tilespmem:$0xA00] =	vst v63  }
0x21: {  	_ =	swait.ge [sflag:s16], $0x100  }
0x22: {  	[sflag:s16] =	ssyncset.done $0x0  }
0x23: {  	[sflag:s16] =	ssyncadd.s32 $0xFFFFFF00  }
0x24: {  	[tilespmem:s20], [sflag:$0x1] =	stream.strided.gather [hbm4b:s8+s14], $0x100, s15, s14, $0x38;
	[tilespmem:$0xA00] =	vst v63  }
0x25: {  	_ =	swait.ge [sflag:s16], $0x100  }
0x26: {  	[sflag:s16] =	ssyncset.done $0x0  }
0x27: {  	[sflag:s16] =	ssyncadd.s32 $0xFFFFFF00  }
0x28: {  	[tilespmem:s21], [sflag:$0x1] =	stream.strided.gather [hbm4b:s9+s14], $0x100, s15, s14, $0x38;
	[tilespmem:$0xA00] =	vst v63  }
0x29: {  	_ =	swait.ge [sflag:s16], $0x100  }
0x2a: {  	[sflag:s16] =	ssyncset.done $0x0  }
0x2b: {  	[sflag:s16] =	ssyncadd.s32 $0xFFFFFF00  }
0x2c: {  	[tilespmem:s22], [sflag:$0x1] =	stream.strided.gather [hbm4b:s10+s14], $0x100, s15, s14, $0x38;
	[tilespmem:$0xA00] =	vst v63  }
0x2d: {  	_ =	swait.ge [sflag:s16], $0x100  }
0x2e: {  	[sflag:s16] =	ssyncset.done $0x0  }
0x2f: {  	[sflag:s16] =	ssyncadd.s32 $0xFFFFFF00  }
0x30: {  	[tilespmem:s23], [sflag:$0x1] =	stream.linear.gather [hbm4b:s11+s2], $0x100, $0x38;
	[tilespmem:$0xA00] =	vst v63  }
0x31: {  	_ =	swait.ge [sflag:s16], $0x100  }
0x32: {  	[sflag:s16] =	ssyncset.done $0x0  }
0x33: {  	[sflag:s16] =	ssyncadd.s32 $0xFFFFFF00  }
0x34: {  	v0 =	vld [tilespmem:$0x800]  }
0x35: {  	v1 =	vld [tilespmem:$0x0]  }
0x36: {  	v2 =	vld [tilespmem:$0x100]  }
0x37: {  	v3 =	vld [tilespmem:$0x200]  }
0x38: {  	v6 =	vld [tilespmem:$0x300]  }
0x39: {  	v15 =	vld [tilespmem:$0x400]  }
0x3a: {  	v20 =	vld [tilespmem:$0x500]  }
0x3b: {  	v24 =	vld [tilespmem:$0x600]  }
0x3c: {  	v25 =	vld [tilespmem:$0x700]  }
0x3d: {  	v33 =	vld [tilespmem:$0x810]  }
0x3e: {  	v23 =	vld [tilespmem:$0x10]  }
0x3f: {  	v37 =	vld [tilespmem:$0x110]  }
0x40: {  	v39 =	vld [tilespmem:$0x210]  }
0x41: {  	v40 =	vld [tilespmem:$0x310]  }
0x42: {  	v41 =	vld [tilespmem:$0x410]  }
0x43: {  	v42 =	vld [tilespmem:$0x510]  }
0x44: {  	v43 =	vld [tilespmem:$0x610]  }
0x45: {  	v44 =	vld [tilespmem:$0x710]  }
0x46: {  	v45 =	vld [tilespmem:$0x820]  }
0x47: {  	v46 =	vld [tilespmem:$0x20]  }
0x48: {  	v47 =	vld [tilespmem:$0x120]  }
0x49: {  	v48 =	vld [tilespmem:$0x220]  }
0x4a: {  	v49 =	vld [tilespmem:$0x320]  }
0x4b: {  	v50 =	vld [tilespmem:$0x420]  }
0x4c: {  	v51 =	vld [tilespmem:$0x520]  }
0x4d: {  	v52 =	vld [tilespmem:$0x620]  }
0x4e: {  	v53 =	vld [tilespmem:$0x720]  }
0x4f: {  	v54 =	vld [tilespmem:$0x830]  }
0x50: {  	v55 =	vld [tilespmem:$0x30]  }
0x51: {  	v56 =	vld [tilespmem:$0x130]  }
0x52: {  	v57 =	vld [tilespmem:$0x230]  }
0x53: {  	v58 =	vld [tilespmem:$0x330]  }
0x54: {  	v59 =	vld [tilespmem:$0x430]  }
0x55: {  	v60 =	vld [tilespmem:$0x530]  }
0x56: {  	v61 =	vld [tilespmem:$0x630]  }
0x57: {  	v62 =	vld [tilespmem:$0x730]  }
0x58: {  	v7 =	vld [tilespmem:$0x840]  }
0x59: {  	v63 =	vld [tilespmem:$0x40]  }
0x5a: {  	v8 =	vld [tilespmem:$0x140]  }
0x5b: {  	v10 =	vld [tilespmem:$0x240]  }
0x5c: {  	v11 =	vld [tilespmem:$0x340]  }
0x5d: {  	v13 =	vld [tilespmem:$0x440]  }
0x5e: {  	v17 =	vld [tilespmem:$0x540]  }
0x5f: {  	v21 =	vld [tilespmem:$0x640]  }
0x60: {  	v34 =	vld [tilespmem:$0x740]  }
0x61: {  	v12 =	vld [tilespmem:$0x850]  }
0x62: {  	v16 =	vld [tilespmem:$0x50]  }
0x63: {  	v14 =	vld [tilespmem:$0x150]  }
0x64: {  	v18 =	vld [tilespmem:$0x250]  }
0x65: {  	v19 =	vld [tilespmem:$0x350]  }
0x66: {  	v22 =	vld [tilespmem:$0x450]  }
0x67: {  	v26 =	vld [tilespmem:$0x550]  }
0x68: {  	v35 =	vld [tilespmem:$0x650]  }
0x69: {  	v4 =	vld [tilespmem:$0x750]  }
0x6a: {  	v9 =	vld [tilespmem:$0x860]  }
0x6b: {  	v38 =	vld [tilespmem:$0x60]  }
0x6c: {  	v27 =	vld [tilespmem:$0x160]  }
0x6d: {  	v36 =	vld [tilespmem:$0x260]  }
0x6e: {  	v32 =	vld [tilespmem:$0x360]  }
0x6f: {  	v30 =	vld [tilespmem:$0x660]  }
0x70: {  	v29 =	vld [tilespmem:$0x460]  }
0x71: {  	v28 =	vld [tilespmem:$0x560]  }
0x72: {  	v31 =	vld [tilespmem:$0x760]  }
0x73: {  	v5 =	vld [tilespmem:$0x870]  }
0x74: {  	[tilespmem:$0x1FF80] =	vst v30;
	v30 =	vld [tilespmem:$0x70]  }
0x75: {  	[tilespmem:$0x1FF60] =	vst v4;
	v4 =	vld [tilespmem:$0x370];
	vm0 =	veq.s32 v0, $0x1  }
0x76: {  	v1 =	vsel vm0, v2, v1;
	v2 =	vld [tilespmem:$0x80]  }
0x77: {  	[tilespmem:$0x1FFB0] =	vst v31;
	v31 =	vld [tilespmem:$0x170]  }
0x78: {  	[tilespmem:$0x1FF70] =	vst v28;
	v28 =	vld [tilespmem:$0x270];
	vm1 =	veq.s32 v33, $0x1  }
0x79: {  	v37 =	vsel vm1, v37, v23;
	v23 =	vld [tilespmem:$0x580]  }
0x7a: {  	vm14 =	veq.s32 v0, $0x2;
	[tilespmem:$0x1FF90] =	vst v4;
	v4 =	vld [tilespmem:$0x470]  }
0x7b: {  	vm15 =	veq.s32 v0, $0x3;
	[tilespmem:$0x1FFD0] =	vst v2;
	v2 =	vsel vm14, v3, v1;
	v1 =	vld [tilespmem:$0x180]  }
0x7c: {  	vm4 =	veq.s32 v0, $0x4;
	v3 =	vsel vm15, v6, v2;
	v2 =	vld [tilespmem:$0x280]  }
0x7d: {  	vm6 =	veq.s32 v33, $0x2;
	vm12 =	veq.s32 v45, $0x1;
	v6 =	vsel vm4, v15, v3;
	v3 =	vld [tilespmem:$0x380]  }
0x7e: {  	v46 =	vsel vm12, v47, v46;
	vm14 =	veq.s32 v45, $0x2;
	v15 =	vsel vm6, v39, v37;
	v37 =	vld [tilespmem:$0x90]  }
0x7f: {  	vm5 =	veq.s32 v0, $0x5;
	v39 =	vsel vm14, v48, v46;
	v46 =	vld [tilespmem:$0x490]  }
0x80: {  	vm15 =	veq.s32 v45, $0x3;
	v6 =	vsel vm5, v20, v6;
	v20 =	vld [tilespmem:$0x480]  }
0x81: {  	v47 =	vsel vm15, v49, v39;
	v39 =	vld [tilespmem:$0x690]  }
0x82: {  	vm7 =	veq.s32 v0, $0x6;
	vm8 =	veq.s32 v33, $0x3;
	[tilespmem:$0x1FFA0] =	vst v4;
	v4 =	vld [tilespmem:$0x570]  }
0x83: {  	vm9 =	veq.s32 v33, $0x4;
	v15 =	vsel vm8, v40, v15;
	v6 =	vsel vm7, v24, v6;
	v24 =	vld [tilespmem:$0x680]  }
0x84: {  	vm14 =	veq.s32 v7, $0x1;
	vm5 =	veq.s32 v45, $0x4;
	v41 =	vsel vm9, v41, v15;
	v15 =	vld [tilespmem:$0x780]  }
0x85: {  	v8 =	vsel vm14, v8, v63;
	vm15 =	veq.s32 v7, $0x2;
	v48 =	vsel vm5, v50, v47;
	v47 =	vld [tilespmem:$0x590]  }
0x86: {  	vm8 =	veq.s32 v54, $0x1;
	v8 =	vsel vm15, v10, v8;
	v10 =	vld [tilespmem:$0x1A0]  }
0x87: {  	vm10 =	veq.s32 v0, $0x7;
	v49 =	vsel vm8, v56, v55;
	v56 =	vld [tilespmem:$0x1FF70]  }
0x88: {  	vm5 =	veq.s32 v7, $0x3;
	v0 =	vsel vm10, v25, v6;
	v6 =	vld [tilespmem:$0x890]  }
0x89: {  	vm11 =	veq.s32 v33, $0x5;
	vm9 =	veq.s32 v54, $0x2;
	v8 =	vsel vm5, v11, v8;
	v11 =	vld [tilespmem:$0x2A0]  }
0x8a: {  	vm13 =	veq.s32 v33, $0x6;
	vm4 =	veq.s32 v33, $0x7;
	v33 =	vsel vm9, v57, v49;
	v49 =	vld [tilespmem:$0x3A0]  }
0x8b: {  	v42 =	vsel vm11, v42, v41;
	v57 =	vld [tilespmem:$0x1FF80]  }
0x8c: {  	v25 =	vsel vm13, v43, v42;
	v42 =	vld [tilespmem:$0x190]  }
0x8d: {  	vm11 =	veq.s32 v54, $0x3;
	v43 =	vld [tilespmem:$0x290]  }
0x8e: {  	vm9 =	veq.s32 v12, $0x1;
	v50 =	vsel vm11, v58, v33;
	v33 =	vld [tilespmem:$0x790]  }
0x8f: {  	v14 =	vsel vm9, v14, v16;
	v16 =	vld [tilespmem:$0x5A0]  }
0x90: {  	v58 =	vld [tilespmem:$0x1FF90]  }
0x91: {  	vm6 =	veq.s32 v45, $0x5;
	v40 =	vsel vm4, v44, v25;
	v44 =	vld [tilespmem:$0x390]  }
0x92: {  	vm11 =	veq.s32 v12, $0x2;
	v25 =	vsel vm6, v51, v48;
	v48 =	vld [tilespmem:$0xA0]  }
0x93: {  	vm12 =	veq.s32 v54, $0x4;
	v14 =	vsel vm11, v18, v14;
	v18 =	vld [tilespmem:$0x6A0]  }
0x94: {  	vm7 =	veq.s32 v45, $0x6;
	v51 =	vsel vm12, v59, v50;
	vm12 =	veq.s32 v12, $0x3;
	v59 =	vld [tilespmem:$0x1FFA0]  }
0x95: {  	vm13 =	veq.s32 v54, $0x5;
	vm4 =	veq.s32 v54, $0x6;
	v14 =	vsel vm12, v19, v14;
	v19 =	vld [tilespmem:$0x7A0]  }
0x96: {  	vm11 =	veq.s32 v5, $0x1;
	v25 =	vsel vm7, v52, v25;
	vm7 =	veq.s32 v54, $0x7;
	v54 =	vld [tilespmem:$0x1FF60]  }
0x97: {  	v30 =	vsel vm11, v31, v30;
	v31 =	vld [tilespmem:$0x5B0]  }
0x98: {  	vm10 =	veq.s32 v45, $0x7;
	v45 =	vsel vm13, v60, v51;
	v60 =	vld [tilespmem:$0x1FFB0]  }
0x99: {  	v51 =	vld [tilespmem:$0x6C0]  }
0x9a: {  	vm6 =	veq.s32 v7, $0x4;
	[tilespmem:$0x1FFC0] =	vst v4;
	v4 =	vld [tilespmem:$0x670]  }
0x9b: {  	vm8 =	veq.s32 v7, $0x5;
	v13 =	vsel vm6, v13, v8;
	v41 =	vsel vm10, v53, v25;
	v25 =	vld [tilespmem:$0x8A0]  }
0x9c: {  	vm14 =	veq.s32 v12, $0x4;
	v13 =	vsel vm8, v17, v13;
	v17 =	vld [tilespmem:$0x4A0]  }
0x9d: {  	vm5 =	veq.s32 v9, $0x1;
	v52 =	vsel vm14, v22, v14;
	v14 =	vld [tilespmem:$0x8B0]  }
0x9e: {  	vm12 =	veq.s32 v5, $0x2;
	v53 =	vsel vm5, v27, v38;
	v27 =	vld [tilespmem:$0x2B0]  }
0x9f: {  	vm10 =	veq.s32 v7, $0x6;
	v28 =	vsel vm12, v28, v30;
	v30 =	vld [tilespmem:$0x6B0]  }
0xa0: {  	v13 =	vsel vm10, v21, v13;
	v21 =	vld [tilespmem:$0xB0]  }
0xa1: {  	v45 =	vsel vm4, v61, v45;
	v61 =	vld [tilespmem:$0x1FFC0]  }
0xa2: {  	vm6 =	veq.s32 v9, $0x2;
	v8 =	vsel vm7, v62, v45;
	v62 =	vld [tilespmem:$0x1FFD0]  }
0xa3: {  	vm15 =	veq.s32 v12, $0x5;
	vm13 =	veq.s32 v7, $0x7;
	v22 =	vsel vm6, v36, v53;
	v53 =	vld [tilespmem:$0xD0]  }
0xa4: {  	vm8 =	veq.s32 v9, $0x3;
	v7 =	vsel vm13, v34, v13;
	v13 =	vsel vm15, v26, v52;
	v26 =	vld [tilespmem:$0x1B0]  }
0xa5: {  	vm9 =	veq.s32 v9, $0x4;
	v55 =	vsel vm8, v32, v22;
	v22 =	vld [tilespmem:$0x3B0]  }
0xa6: {  	vm4 =	veq.s32 v12, $0x6;
	vm14 =	veq.s32 v5, $0x3;
	vm5 =	veq.s32 v5, $0x5;
	[tilespmem:$0x1FFE0] =	vst v4;
	v4 =	vld [tilespmem:$0x770]  }
0xa7: {  	vm7 =	veq.s32 v12, $0x7;
	vm10 =	veq.s32 v9, $0x5;
	vm13 =	veq.s32 v9, $0x6;
	v32 =	vld [tilespmem:$0x7B0]  }
0xa8: {  	v28 =	vsel vm14, v58, v28;
	vm15 =	veq.s32 v5, $0x4;
	v34 =	vld [tilespmem:$0x8C0];
	vm14 =	veq.s32 v6, $0x1  }
0xa9: {  	v58 =	vld [tilespmem:$0x4D0];
	v13 =	vsel vm4, v35, v13;
	vm4 =	veq.s32 v9, $0x7;
	v28 =	vsel vm15, v59, v28  }
0xaa: {  	v50 =	vsel vm14, v42, v37;
	v12 =	vsel vm7, v54, v13;
	v13 =	vsel vm9, v29, v55;
	v63 =	vld [tilespmem:$0x1FFE0]  }
0xab: {  	vm15 =	veq.s32 v6, $0x2;
	vm7 =	veq.s32 v5, $0x6;
	v13 =	vsel vm10, v56, v13;
	[tilespmem:$0x1FFF0] =	vst v4;
	v4 =	vld [tilespmem:$0x880]  }
0xac: {  	v35 =	vld [tilespmem:$0x1C0];
	v52 =	vsel vm15, v43, v50;
	vm10 =	veq.s32 v5, $0x7;
	v13 =	vsel vm13, v57, v13  }
0xad: {  	v59 =	vld [tilespmem:$0x5D0];
	vm14 =	veq.s32 v25, $0x5;
	vm15 =	veq.s32 v14, $0x1;
	v9 =	vsel vm4, v60, v13  }
0xae: {  	v13 =	vsel vm5, v61, v28;
	vm5 =	veq.s32 v6, $0x3;
	v60 =	vsel vm15, v26, v21;
	v45 =	vld [tilespmem:$0x1FFF0]  }
0xaf: {  	v29 =	vld [tilespmem:$0x4B0];
	vm15 =	veq.s32 v34, $0x4;
	v13 =	vsel vm7, v63, v13;
	vm7 =	veq.s32 v6, $0x5  }
0xb0: {  	v54 =	vld [tilespmem:$0x1D0];
	vm6 =	veq.s32 v4, $0x1;
	vm8 =	veq.s32 v4, $0x2;
	vm9 =	veq.s32 v4, $0x3  }
0xb1: {  	v55 =	vld [tilespmem:$0x2D0];
	vm11 =	veq.s32 v4, $0x4;
	vm12 =	veq.s32 v4, $0x5;
	vm13 =	veq.s32 v4, $0x6  }
0xb2: {  	v43 =	vld [tilespmem:$0x2E0];
	vm4 =	veq.s32 v4, $0x7;
	v4 =	vsel vm5, v44, v52;
	vm5 =	veq.s32 v14, $0x2  }
0xb3: {  	v50 =	vld [tilespmem:$0x7E0];
	v1 =	vsel vm6, v1, v62;
	v5 =	vsel vm10, v45, v13;
	vm6 =	veq.s32 v6, $0x4  }
0xb4: {  	v56 =	vld [tilespmem:$0x3D0];
	vm10 =	veq.s32 v6, $0x6;
	v1 =	vsel vm8, v2, v1;
	v4 =	vsel vm6, v46, v4  }
0xb5: {  	v28 =	vld [tilespmem:$0xC0];
	vm8 =	veq.s32 v25, $0x1;
	vm6 =	veq.s32 v14, $0x3;
	v1 =	vsel vm9, v3, v1  }
0xb6: {  	v61 =	vld [tilespmem:$0x6D0];
	v4 =	vsel vm7, v47, v4;
	v10 =	vsel vm8, v10, v48;
	vm9 =	veq.s32 v25, $0x2  }
0xb7: {  	v63 =	vld [tilespmem:$0x8E0];
	vm7 =	veq.s32 v25, $0x7;
	vm8 =	veq.s32 v14, $0x4;
	v1 =	vsel vm11, v20, v1  }
0xb8: {  	v44 =	vld [tilespmem:$0x3E0];
	v10 =	vsel vm9, v11, v10;
	vm11 =	veq.s32 v25, $0x3;
	v4 =	vsel vm10, v39, v4  }
0xb9: {  	v52 =	vld [tilespmem:$0xF0];
	vm9 =	veq.s32 v14, $0x5;
	vm10 =	veq.s32 v14, $0x6;
	v1 =	vsel vm12, v23, v1  }
0xba: {  	v2 =	vld [tilespmem:$0x2C0];
	v10 =	vsel vm11, v49, v10;
	vm12 =	veq.s32 v25, $0x4;
	vm11 =	veq.s32 v34, $0x1  }
0xbb: {  	v3 =	vld [tilespmem:$0x3C0];
	v1 =	vsel vm13, v24, v1;
	vm13 =	veq.s32 v6, $0x7;
	v57 =	vsel vm12, v17, v10  }
0xbc: {  	v13 =	vld [tilespmem:$0x4C0];
	v17 =	vsel vm5, v27, v60;
	v42 =	vsel vm11, v35, v28;
	vm12 =	veq.s32 v34, $0x2  }
0xbd: {  	v62 =	vld [tilespmem:$0x7D0];
	v1 =	vsel vm4, v15, v1;
	v4 =	vsel vm13, v33, v4;
	v6 =	vsel vm14, v16, v57  }
0xbe: {  	v20 =	vld [tilespmem:$0x5C0];
	vm4 =	veq.s32 v25, $0x6;
	v17 =	vsel vm6, v22, v17;
	vm13 =	veq.s32 v14, $0x7  }
0xbf: {  	v45 =	vld [tilespmem:$0x4E0];
	v2 =	vsel vm12, v2, v42;
	vm14 =	veq.s32 v34, $0x3;
	vm12 =	veq.s32 v63, $0x1  }
0xc0: {  	v15 =	vld [tilespmem:$0x8D0];
	v6 =	vsel vm4, v18, v6;
	v17 =	vsel vm8, v29, v17;
	v2 =	vsel vm14, v3, v2  }
0xc1: {  	v39 =	vld [tilespmem:$0x1E0];
	vm4 =	veq.s32 v34, $0x5;
	vm14 =	veq.s32 v63, $0x2;
	v6 =	vsel vm7, v19, v6  }
0xc2: {  	v23 =	vld [tilespmem:$0x7C0];
	v17 =	vsel vm9, v31, v17;
	v2 =	vsel vm15, v13, v2;
	vm7 =	veq.s32 v34, $0x6  }
0xc3: {  	v33 =	vld [tilespmem:$0xE0];
	vm15 =	veq.s32 v63, $0x3;
	v17 =	vsel vm10, v30, v17;
	v2 =	vsel vm4, v20, v2  }
0xc4: {  	[tilespmem:$0x900] =	vst v0;
	v46 =	vld [tilespmem:$0x5E0];
	vm10 =	veq.s32 v34, $0x7;
	v17 =	vsel vm13, v32, v17;
	v2 =	vsel vm7, v51, v2  }
0xc5: {  	[tilespmem:$0x910] =	vst v40;
	v48 =	vld [tilespmem:$0x6E0];
	vm7 =	veq.s32 v63, $0x5;
	vm5 =	veq.s32 v15, $0x1;
	vm6 =	veq.s32 v15, $0x2  }
0xc6: {  	[tilespmem:$0x920] =	vst v41;
	v51 =	vld [tilespmem:$0x8F0];
	vm8 =	veq.s32 v15, $0x3;
	vm9 =	veq.s32 v15, $0x4;
	vm11 =	veq.s32 v15, $0x5  }
0xc7: {  	[tilespmem:$0x930] =	vst v8;
	v2 =	vsel vm10, v23, v2;
	vm13 =	veq.s32 v15, $0x6;
	v47 =	vsel vm5, v54, v53;
	v53 =	vld [tilespmem:$0x1F0]  }
0xc8: {  	[tilespmem:$0x940] =	vst v7;
	vm4 =	veq.s32 v15, $0x7;
	v54 =	vsel vm12, v39, v33;
	v49 =	vsel vm6, v55, v47;
	v55 =	vld [tilespmem:$0x2F0]  }
0xc9: {  	[tilespmem:$0x950] =	vst v12;
	vm10 =	veq.s32 v63, $0x6;
	v7 =	vsel vm14, v43, v54;
	v0 =	vsel vm8, v56, v49;
	v56 =	vld [tilespmem:$0x3F0]  }
0xca: {  	[tilespmem:$0x960] =	vst v9;
	v57 =	vld [tilespmem:$0x4F0];
	vm5 =	veq.s32 v63, $0x4;
	v7 =	vsel vm15, v44, v7;
	v0 =	vsel vm9, v58, v0  }
0xcb: {  	[tilespmem:$0x970] =	vst v5;
	v3 =	vsel vm5, v45, v7;
	vm6 =	veq.s32 v51, $0x1;
	v58 =	vld [tilespmem:$0x5F0];
	vm8 =	veq.s32 v51, $0x2  }
0xcc: {  	v60 =	vld [tilespmem:$0x6F0];
	[tilespmem:$0x980] =	vst v1;
	vm9 =	veq.s32 v51, $0x3;
	v0 =	vsel vm11, v59, v0;
	v59 =	vsel vm6, v53, v52  }
0xcd: {  	[tilespmem:$0x990] =	vst v4;
	vm12 =	veq.s32 v51, $0x5;
	v0 =	vsel vm13, v61, v0;
	v61 =	vld [tilespmem:$0x7F0];
	v1 =	vsel vm8, v55, v59  }
0xce: {  	[tilespmem:$0x9A0] =	vst v6;
	v3 =	vsel vm7, v46, v3;
	vm11 =	veq.s32 v51, $0x4;
	v1 =	vsel vm9, v56, v1  }
0xcf: {  	[tilespmem:$0x9B0] =	vst v17;
	vm14 =	veq.s32 v51, $0x6;
	v3 =	vsel vm10, v48, v3;
	v1 =	vsel vm11, v57, v1  }
0xd0: {  	[tilespmem:$0x9C0] =	vst v2;
	vm13 =	veq.s32 v63, $0x7;
	v0 =	vsel vm4, v62, v0;
	v1 =	vsel vm12, v58, v1  }
0xd1: {  	vm15 =	veq.s32 v51, $0x7;
	v62 =	vsel vm13, v50, v3;
	[tilespmem:$0x9D0] =	vst v0;
	v63 =	vsel vm14, v60, v1  }
0xd2: {  	p0 =	sne.s32 s13, $0x1;
	[tilespmem:$0x9E0] =	vst v62;
	v0 =	vsel vm15, v61, v63  }
.Ltmp0:
0xd3: {  	[tilespmem:$0x9F0] =	vst v0;
	(pc) =	sbr.rel @p0 .LBB2_1-.Ltmp0, $4  }
0xd4: {  	[hbm4b:s12+s2] =	stream.linear.scatter [tilespmem:s24], [sflag:$0x1], $0x100, $0x38;
	[tilespmem:$0xA00] =	vst v63  }
0xd5: {  	_ =	swait.ge [sflag:s16], $0x100  }
0xd6: {  	[sflag:s16] =	ssyncset.done $0x0  }
0xd7: {  	s13 =	sadd.s32 $0xFFFFFFFF, s13;
	[sflag:s16] =	ssyncadd.s32 $0xFFFFFF00  }
0xd8: {  	_ =	sfence.sel $0x180000  }
0xd9: {  	[bflag:$0x0] =	sbarrier.arrive $0xFFFF  }
0xda: {  	p0 =	sne.s32 s1, $0x0;
	_ =	strace $0x90000047  }
0xdb: {  	s0 =	sadd.s32 @!p0 $0x100000, s0;
	[bflag:$0x2] =	sbarrier.arrive $0xFFFF  }
0xdc: {  	[sflag:s0] =	ssyncadd.tile.s32 @!p0 $0x1;
	_ =	shalt  }
.Lfunc_end2:
_tile_overlayer_lowered:
.L_overlay_start_2:
0xdd: {  	(tag) =	ssettag $0x2  }
0xde: {  	s0 =	rddreg [dreg:$0x0];
	s2 =	stileid.u32  }
0xdf: {  	s1 =	rddreg [dreg:$0x1];
	p0 =	sne.s32 s2, $0x0  }
0xe0: {  	s3 =	rddreg [dreg:$0x2];
	[bflag:$0x3] =	sbarrier.arrive $0xFFFF;
	s2 =	simm.s32 @!p0 $0x1C01  }
0xe1: {  	[timem:s3], [sflag:s2] =	dma.local @!p0 [hbm:s0], s1  }
0xe2: {  	s0 =	simm.s32 @!p0 $0x1  }
0xe3: {  	_ =	swait.ge @!p0 [sflag:s0], s1  }
0xe4: {  	s1 =	ssub.s32 @!p0 $0x0, s1;
	[sflag:s0] =	ssyncset.done @!p0 $0x0  }
0xe5: {  	[sflag:s0] =	ssyncadd.s32 @!p0 s1  }
0xe6: {  	[bflag:$0x3] =	sbarrier.arrive $0xFFFF  }
0xe7: {  	_ =	shalt  }

</sc_bundles>
